<compile_context>
chip_gen: v7x
topology: tpu7x:2x2x1
jax: 0.10.2.dev20260603
libtpu: 0.0.44.dev20260713+nightly
codegen_flags: <defaults>
</compile_context>

<pallas_src>
import functools

import jax
import jax.numpy as jnp
from jax import lax
from jax.experimental import pallas as pl
from jax.experimental.pallas import tpu as pltpu
from jax.experimental.pallas import tpu_sc as plsc

B = 16384
D = 32
V = 1000000
_NC = 2
_NS = 16
_NW = _NC * _NS
B_PER_W = B // _NW
NBUF = 8
NCH = B_PER_W // NBUF
L = 16


@functools.cache
def _build():
    mesh = plsc.VectorSubcoreMesh(core_axis_name="c", subcore_axis_name="s")

    @functools.partial(
        pl.kernel,
        mesh=mesh,
        out_type=jax.ShapeDtypeStruct((D, B), jnp.float32),
        scratch_types=[
            pltpu.SMEM((B_PER_W,), jnp.int32),
            pltpu.VMEM((B_PER_W,), jnp.int32),
            pltpu.VMEM((NBUF, D, 128), jnp.float32),
            pltpu.VMEM((D, B_PER_W), jnp.float32),
            [pltpu.SemaphoreType.DMA] * NBUF,
        ],
        compiler_params=pltpu.CompilerParams(
            use_tc_tiling_on_sc=True, needs_layout_passes=False),
    )
    def _gather_sc(idx_hbm, vt_hbm, out_hbm, idx_s, idx_v, bufs, cols_v, sems):
        wid = lax.axis_index("s") * _NC + lax.axis_index("c")
        base = pl.multiple_of(wid * B_PER_W, 128)
        pltpu.sync_copy(idx_hbm.at[pl.ds(base, B_PER_W)], idx_v)

        def spill(g, carry):
            vec = idx_v[pl.ds(g * L, L)]
            for k in range(L):
                idx_s[g * L + k] = vec[k]
            return carry

        lax.fori_loop(0, B_PER_W // L, spill, 0)

        iota = lax.iota(jnp.int32, L)
        rows0 = iota
        rows1 = iota + L

        def fire(i, b):
            c = idx_s[i] >> 7
            pltpu.async_copy(
                vt_hbm.at[:, pl.ds(pl.multiple_of(c * 128, 128), 128)],
                bufs.at[b],
                sems[b],
            )

        def wait(b):
            pltpu.make_async_copy(
                vt_hbm.at[:, pl.ds(0, 128)], bufs.at[b], sems[b]
            ).wait()

        def extract(i, b):
            lane = jnp.full((L,), idx_s[i] & 127, jnp.int32)
            col = jnp.full((L,), i, jnp.int32)
            v0 = plsc.load_gather(bufs.at[b], [rows0, lane])
            v1 = plsc.load_gather(bufs.at[b], [rows1, lane])
            plsc.store_scatter(cols_v, [rows0, col], v0)
            plsc.store_scatter(cols_v, [rows1, col], v1)

        for b in range(NBUF):
            fire(b, b)

        def chunk(g, carry):
            for b in range(NBUF):
                i = g * NBUF + b
                wait(b)
                extract(i, b)

                @pl.when(g < NCH - 1)
                def _():
                    fire(i + NBUF, b)

            return carry

        lax.fori_loop(0, NCH, chunk, 0)
        pltpu.sync_copy(cols_v, out_hbm.at[:, pl.ds(base, B_PER_W)])

    return _gather_sc


def kernel(inputs, v):
    idx = inputs.reshape(B).astype(jnp.int32)
    vt = jnp.transpose(v)
    out_t = _build()(idx, vt)
    return jnp.transpose(out_t)

# --- scband reference (transcript-rebuilt; emitter-appended) ---
"""Pipeline reference for scband-variable-index-layer-29231547416818 (READ-ONLY COPY).

The authoritative reference and input builder live on the scoring server;
editing this copy changes nothing except your own understanding.
"""

import jax, jax.numpy as jnp
import numpy as np


def setup_inputs(seed: int = 0) -> dict:
    key = jax.random.key(seed)
    k1, k2 = jax.random.split(key)
    inputs = jax.random.randint(k1, (16384, 1), 0, 1000000, dtype=jnp.int64)
    v = jax.random.normal(k2, (1000000, 32), dtype=jnp.float32)
    return {"inputs": inputs, "v": v}


def reference(inputs, v):
    # tf.gather_nd(v, inputs) with index depth 1 == row gather along axis 0
    idx = inputs[:, 0]
    out = jnp.take(v, idx, axis=0)
    return out

if __name__ == "__main__":
    import jax
    _d = setup_inputs()
    print(jax.jit(kernel)(*tuple(_d.values())))

</pallas_src>

<mosaic_0001>
#map = affine_map<(d0, d1) -> (0)>
#map1 = affine_map<(d0, d1) -> (0, 0)>
module attributes {stable_mosaic.version = 14 : i64} {
  func.func @_gather_sc(%arg0: i32, %arg1: i32, %arg2: memref<16384xi32, #tpu.memory_space<hbm>>, %arg3: memref<32x1000000xf32, #tpu.memory_space<hbm>>, %arg4: memref<32x16384xf32, #tpu.memory_space<hbm>>, %arg5: memref<512xi32, #tpu.memory_space<smem>>, %arg6: memref<512xi32, #tpu.memory_space<vmem>>, %arg7: memref<8x32x128xf32, #tpu.memory_space<vmem>>, %arg8: memref<32x512xf32, #tpu.memory_space<vmem>>, %arg9: memref<!tpu.dma_semaphore, #tpu.memory_space<semaphore_mem>>, %arg10: memref<!tpu.dma_semaphore, #tpu.memory_space<semaphore_mem>>, %arg11: memref<!tpu.dma_semaphore, #tpu.memory_space<semaphore_mem>>, %arg12: memref<!tpu.dma_semaphore, #tpu.memory_space<semaphore_mem>>, %arg13: memref<!tpu.dma_semaphore, #tpu.memory_space<semaphore_mem>>, %arg14: memref<!tpu.dma_semaphore, #tpu.memory_space<semaphore_mem>>, %arg15: memref<!tpu.dma_semaphore, #tpu.memory_space<semaphore_mem>>, %arg16: memref<!tpu.dma_semaphore, #tpu.memory_space<semaphore_mem>>) attributes {dimension_semantics = [#tpu.dimension_semantics<core_parallel>, #tpu.dimension_semantics<subcore_parallel>], iteration_bounds = array<i64: 2, 16>, scalar_prefetch = 0 : i64, scratch_operands = 12 : i64, tpu.core_type = #tpu.core_type<sc_vector_subcore>, window_params = [{transform_indices = #map}, {transform_indices = #map1}, {transform_indices = #map1}]} {
    %mul3A = arith.constant 2 : i32
    %mul3A_0 = arith.muli %arg1, %mul3A : i32
    %add3A = arith.addi %mul3A_0, %arg0 : i32
    %mul3A_1 = arith.constant 512 : i32
    %mul3A_2 = arith.muli %add3A, %mul3A_1 : i32
    %multiple_of3A = tpu.assume_multiple %mul3A_2, 128 : i32
    "tpu.region"() ({
      %run_scoped3A = tpu.sem_alloc : memref<!tpu.dma_semaphore, #tpu.memory_space<semaphore_mem>>
      %dma_start3A_182 = tpu.memref_slice %arg2[%multiple_of3A] : memref<16384xi32, #tpu.memory_space<hbm>> -> memref<512xi32, #tpu.memory_space<hbm>>
      %dma_start3A_183 = tpu.memref_slice %arg2[%multiple_of3A] : memref<16384xi32, #tpu.memory_space<hbm>> -> memref<512xi32, #tpu.memory_space<hbm>>
      tpu.enqueue_dma source(%dma_start3A_183 : memref<512xi32, #tpu.memory_space<hbm>>) target(%arg6 : memref<512xi32, #tpu.memory_space<vmem>>) target_semaphore(%run_scoped3A : memref<!tpu.dma_semaphore, #tpu.memory_space<semaphore_mem>>)
      %dma_wait3A = tpu.memref_slice %arg2[%multiple_of3A] : memref<16384xi32, #tpu.memory_space<hbm>> -> memref<512xi32, #tpu.memory_space<hbm>>
      %dma_wait3A_184 = tpu.memref_slice %arg2[%multiple_of3A] : memref<16384xi32, #tpu.memory_space<hbm>> -> memref<512xi32, #tpu.memory_space<hbm>>
      tpu.wait_dma2 semaphore(%run_scoped3A : memref<!tpu.dma_semaphore, #tpu.memory_space<semaphore_mem>>) src(%dma_wait3A_184 : memref<512xi32, #tpu.memory_space<hbm>>) dst(%arg6 : memref<512xi32, #tpu.memory_space<vmem>>)
      tpu.yield
    }) : () -> ()
    %scan3A = arith.constant 0 : i32
    %scan3A_3 = arith.constant 0 : i32
    %scan3A_4 = arith.constant 32 : i32
    %scan3A_5 = arith.addi %scan3A_3, %scan3A_4 : i32
    %scan3A_6 = arith.constant 1 : i32
    scf.for %scan3A_182 = %scan3A_3 to %scan3A_5 step %scan3A_6  : i32 {
      %mul3A_183 = arith.constant 16 : i32
      %mul3A_184 = arith.muli %scan3A_182, %mul3A_183 : i32
      %get3A_185 = arith.index_cast %mul3A_184 : i32 to index
      %get3A_186 = tpu.vector_load %arg6[%get3A_185] {strides = array<i32>} : memref<512xi32, #tpu.memory_space<vmem>>, vector<16xi32>,
      %slice3A = vector.extract_strided_slice %get3A_186 {offsets = [0], sizes = [1], strides = [1]} : vector<16xi32> to vector<1xi32>
      %squeeze3A = vector.extract %slice3A[0] : i32 from vector<1xi32>
      %mul3A_187 = arith.constant 16 : i32
      %mul3A_188 = arith.muli %scan3A_182, %mul3A_187 : i32
      %add3A_189 = arith.constant 0 : i32
      %add3A_190 = arith.addi %mul3A_188, %add3A_189 : i32
      %swap3A = arith.index_cast %add3A_190 : i32 to index
      %swap3A_191 = memref.load %arg5[%swap3A] : memref<512xi32, #tpu.memory_space<smem>>
      memref.store %squeeze3A, %arg5[%swap3A] : memref<512xi32, #tpu.memory_space<smem>>
      %slice3A_192 = vector.extract_strided_slice %get3A_186 {offsets = [1], sizes = [1], strides = [1]} : vector<16xi32> to vector<1xi32>
      %squeeze3A_193 = vector.extract %slice3A_192[0] : i32 from vector<1xi32>
      %mul3A_194 = arith.constant 16 : i32
      %mul3A_195 = arith.muli %scan3A_182, %mul3A_194 : i32
      %add3A_196 = arith.constant 1 : i32
      %add3A_197 = arith.addi %mul3A_195, %add3A_196 : i32
      %swap3A_198 = arith.index_cast %add3A_197 : i32 to index
      %swap3A_199 = memref.load %arg5[%swap3A_198] : memref<512xi32, #tpu.memory_space<smem>>
      memref.store %squeeze3A_193, %arg5[%swap3A_198] : memref<512xi32, #tpu.memory_space<smem>>
      %slice3A_200 = vector.extract_strided_slice %get3A_186 {offsets = [2], sizes = [1], strides = [1]} : vector<16xi32> to vector<1xi32>
      %squeeze3A_201 = vector.extract %slice3A_200[0] : i32 from vector<1xi32>
      %mul3A_202 = arith.constant 16 : i32
      %mul3A_203 = arith.muli %scan3A_182, %mul3A_202 : i32
      %add3A_204 = arith.constant 2 : i32
      %add3A_205 = arith.addi %mul3A_203, %add3A_204 : i32
      %swap3A_206 = arith.index_cast %add3A_205 : i32 to index
      %swap3A_207 = memref.load %arg5[%swap3A_206] : memref<512xi32, #tpu.memory_space<smem>>
      memref.store %squeeze3A_201, %arg5[%swap3A_206] : memref<512xi32, #tpu.memory_space<smem>>
      %slice3A_208 = vector.extract_strided_slice %get3A_186 {offsets = [3], sizes = [1], strides = [1]} : vector<16xi32> to vector<1xi32>
      %squeeze3A_209 = vector.extract %slice3A_208[0] : i32 from vector<1xi32>
      %mul3A_210 = arith.constant 16 : i32
      %mul3A_211 = arith.muli %scan3A_182, %mul3A_210 : i32
      %add3A_212 = arith.constant 3 : i32
      %add3A_213 = arith.addi %mul3A_211, %add3A_212 : i32
      %swap3A_214 = arith.index_cast %add3A_213 : i32 to index
      %swap3A_215 = memref.load %arg5[%swap3A_214] : memref<512xi32, #tpu.memory_space<smem>>
      memref.store %squeeze3A_209, %arg5[%swap3A_214] : memref<512xi32, #tpu.memory_space<smem>>
      %slice3A_216 = vector.extract_strided_slice %get3A_186 {offsets = [4], sizes = [1], strides = [1]} : vector<16xi32> to vector<1xi32>
      %squeeze3A_217 = vector.extract %slice3A_216[0] : i32 from vector<1xi32>
      %mul3A_218 = arith.constant 16 : i32
      %mul3A_219 = arith.muli %scan3A_182, %mul3A_218 : i32
      %add3A_220 = arith.constant 4 : i32
      %add3A_221 = arith.addi %mul3A_219, %add3A_220 : i32
      %swap3A_222 = arith.index_cast %add3A_221 : i32 to index
      %swap3A_223 = memref.load %arg5[%swap3A_222] : memref<512xi32, #tpu.memory_space<smem>>
      memref.store %squeeze3A_217, %arg5[%swap3A_222] : memref<512xi32, #tpu.memory_space<smem>>
      %slice3A_224 = vector.extract_strided_slice %get3A_186 {offsets = [5], sizes = [1], strides = [1]} : vector<16xi32> to vector<1xi32>
      %squeeze3A_225 = vector.extract %slice3A_224[0] : i32 from vector<1xi32>
      %mul3A_226 = arith.constant 16 : i32
      %mul3A_227 = arith.muli %scan3A_182, %mul3A_226 : i32
      %add3A_228 = arith.constant 5 : i32
      %add3A_229 = arith.addi %mul3A_227, %add3A_228 : i32
      %swap3A_230 = arith.index_cast %add3A_229 : i32 to index
      %swap3A_231 = memref.load %arg5[%swap3A_230] : memref<512xi32, #tpu.memory_space<smem>>
      memref.store %squeeze3A_225, %arg5[%swap3A_230] : memref<512xi32, #tpu.memory_space<smem>>
      %slice3A_232 = vector.extract_strided_slice %get3A_186 {offsets = [6], sizes = [1], strides = [1]} : vector<16xi32> to vector<1xi32>
      %squeeze3A_233 = vector.extract %slice3A_232[0] : i32 from vector<1xi32>
      %mul3A_234 = arith.constant 16 : i32
      %mul3A_235 = arith.muli %scan3A_182, %mul3A_234 : i32
      %add3A_236 = arith.constant 6 : i32
      %add3A_237 = arith.addi %mul3A_235, %add3A_236 : i32
      %swap3A_238 = arith.index_cast %add3A_237 : i32 to index
      %swap3A_239 = memref.load %arg5[%swap3A_238] : memref<512xi32, #tpu.memory_space<smem>>
      memref.store %squeeze3A_233, %arg5[%swap3A_238] : memref<512xi32, #tpu.memory_space<smem>>
      %slice3A_240 = vector.extract_strided_slice %get3A_186 {offsets = [7], sizes = [1], strides = [1]} : vector<16xi32> to vector<1xi32>
      %squeeze3A_241 = vector.extract %slice3A_240[0] : i32 from vector<1xi32>
      %mul3A_242 = arith.constant 16 : i32
      %mul3A_243 = arith.muli %scan3A_182, %mul3A_242 : i32
      %add3A_244 = arith.constant 7 : i32
      %add3A_245 = arith.addi %mul3A_243, %add3A_244 : i32
      %swap3A_246 = arith.index_cast %add3A_245 : i32 to index
      %swap3A_247 = memref.load %arg5[%swap3A_246] : memref<512xi32, #tpu.memory_space<smem>>
      memref.store %squeeze3A_241, %arg5[%swap3A_246] : memref<512xi32, #tpu.memory_space<smem>>
      %slice3A_248 = vector.extract_strided_slice %get3A_186 {offsets = [8], sizes = [1], strides = [1]} : vector<16xi32> to vector<1xi32>
      %squeeze3A_249 = vector.extract %slice3A_248[0] : i32 from vector<1xi32>
      %mul3A_250 = arith.constant 16 : i32
      %mul3A_251 = arith.muli %scan3A_182, %mul3A_250 : i32
      %add3A_252 = arith.constant 8 : i32
      %add3A_253 = arith.addi %mul3A_251, %add3A_252 : i32
      %swap3A_254 = arith.index_cast %add3A_253 : i32 to index
      %swap3A_255 = memref.load %arg5[%swap3A_254] : memref<512xi32, #tpu.memory_space<smem>>
      memref.store %squeeze3A_249, %arg5[%swap3A_254] : memref<512xi32, #tpu.memory_space<smem>>
      %slice3A_256 = vector.extract_strided_slice %get3A_186 {offsets = [9], sizes = [1], strides = [1]} : vector<16xi32> to vector<1xi32>
      %squeeze3A_257 = vector.extract %slice3A_256[0] : i32 from vector<1xi32>
      %mul3A_258 = arith.constant 16 : i32
      %mul3A_259 = arith.muli %scan3A_182, %mul3A_258 : i32
      %add3A_260 = arith.constant 9 : i32
      %add3A_261 = arith.addi %mul3A_259, %add3A_260 : i32
      %swap3A_262 = arith.index_cast %add3A_261 : i32 to index
      %swap3A_263 = memref.load %arg5[%swap3A_262] : memref<512xi32, #tpu.memory_space<smem>>
      memref.store %squeeze3A_257, %arg5[%swap3A_262] : memref<512xi32, #tpu.memory_space<smem>>
      %slice3A_264 = vector.extract_strided_slice %get3A_186 {offsets = [10], sizes = [1], strides = [1]} : vector<16xi32> to vector<1xi32>
      %squeeze3A_265 = vector.extract %slice3A_264[0] : i32 from vector<1xi32>
      %mul3A_266 = arith.constant 16 : i32
      %mul3A_267 = arith.muli %scan3A_182, %mul3A_266 : i32
      %add3A_268 = arith.constant 10 : i32
      %add3A_269 = arith.addi %mul3A_267, %add3A_268 : i32
      %swap3A_270 = arith.index_cast %add3A_269 : i32 to index
      %swap3A_271 = memref.load %arg5[%swap3A_270] : memref<512xi32, #tpu.memory_space<smem>>
      memref.store %squeeze3A_265, %arg5[%swap3A_270] : memref<512xi32, #tpu.memory_space<smem>>
      %slice3A_272 = vector.extract_strided_slice %get3A_186 {offsets = [11], sizes = [1], strides = [1]} : vector<16xi32> to vector<1xi32>
      %squeeze3A_273 = vector.extract %slice3A_272[0] : i32 from vector<1xi32>
      %mul3A_274 = arith.constant 16 : i32
      %mul3A_275 = arith.muli %scan3A_182, %mul3A_274 : i32
      %add3A_276 = arith.constant 11 : i32
      %add3A_277 = arith.addi %mul3A_275, %add3A_276 : i32
      %swap3A_278 = arith.index_cast %add3A_277 : i32 to index
      %swap3A_279 = memref.load %arg5[%swap3A_278] : memref<512xi32, #tpu.memory_space<smem>>
      memref.store %squeeze3A_273, %arg5[%swap3A_278] : memref<512xi32, #tpu.memory_space<smem>>
      %slice3A_280 = vector.extract_strided_slice %get3A_186 {offsets = [12], sizes = [1], strides = [1]} : vector<16xi32> to vector<1xi32>
      %squeeze3A_281 = vector.extract %slice3A_280[0] : i32 from vector<1xi32>
      %mul3A_282 = arith.constant 16 : i32
      %mul3A_283 = arith.muli %scan3A_182, %mul3A_282 : i32
      %add3A_284 = arith.constant 12 : i32
      %add3A_285 = arith.addi %mul3A_283, %add3A_284 : i32
      %swap3A_286 = arith.index_cast %add3A_285 : i32 to index
      %swap3A_287 = memref.load %arg5[%swap3A_286] : memref<512xi32, #tpu.memory_space<smem>>
      memref.store %squeeze3A_281, %arg5[%swap3A_286] : memref<512xi32, #tpu.memory_space<smem>>
      %slice3A_288 = vector.extract_strided_slice %get3A_186 {offsets = [13], sizes = [1], strides = [1]} : vector<16xi32> to vector<1xi32>
      %squeeze3A_289 = vector.extract %slice3A_288[0] : i32 from vector<1xi32>
      %mul3A_290 = arith.constant 16 : i32
      %mul3A_291 = arith.muli %scan3A_182, %mul3A_290 : i32
      %add3A_292 = arith.constant 13 : i32
      %add3A_293 = arith.addi %mul3A_291, %add3A_292 : i32
      %swap3A_294 = arith.index_cast %add3A_293 : i32 to index
      %swap3A_295 = memref.load %arg5[%swap3A_294] : memref<512xi32, #tpu.memory_space<smem>>
      memref.store %squeeze3A_289, %arg5[%swap3A_294] : memref<512xi32, #tpu.memory_space<smem>>
      %slice3A_296 = vector.extract_strided_slice %get3A_186 {offsets = [14], sizes = [1], strides = [1]} : vector<16xi32> to vector<1xi32>
      %squeeze3A_297 = vector.extract %slice3A_296[0] : i32 from vector<1xi32>
      %mul3A_298 = arith.constant 16 : i32
      %mul3A_299 = arith.muli %scan3A_182, %mul3A_298 : i32
      %add3A_300 = arith.constant 14 : i32
      %add3A_301 = arith.addi %mul3A_299, %add3A_300 : i32
      %swap3A_302 = arith.index_cast %add3A_301 : i32 to index
      %swap3A_303 = memref.load %arg5[%swap3A_302] : memref<512xi32, #tpu.memory_space<smem>>
      memref.store %squeeze3A_297, %arg5[%swap3A_302] : memref<512xi32, #tpu.memory_space<smem>>
      %slice3A_304 = vector.extract_strided_slice %get3A_186 {offsets = [15], sizes = [1], strides = [1]} : vector<16xi32> to vector<1xi32>
      %squeeze3A_305 = vector.extract %slice3A_304[0] : i32 from vector<1xi32>
      %mul3A_306 = arith.constant 16 : i32
      %mul3A_307 = arith.muli %scan3A_182, %mul3A_306 : i32
      %add3A_308 = arith.constant 15 : i32
      %add3A_309 = arith.addi %mul3A_307, %add3A_308 : i32
      %swap3A_310 = arith.index_cast %add3A_309 : i32 to index
      %swap3A_311 = memref.load %arg5[%swap3A_310] : memref<512xi32, #tpu.memory_space<smem>>
      memref.store %squeeze3A_305, %arg5[%swap3A_310] : memref<512xi32, #tpu.memory_space<smem>>
    }
    %scan3A_7 = arith.constant 32 : i32
    %iota3A = tpu.iota {dimensions = array<i32: 0>} : vector<16xi32>
    %add3A_8 = arith.constant 16 : i32
    %add3A_9 = vector.broadcast %add3A_8 : i32 to vector<16xi32>
    %add3A_10 = arith.addi %iota3A, %add3A_9 : vector<16xi32>
    %get3A = arith.constant 0 : i32
    %get3A_11 = arith.index_cast %get3A : i32 to index
    %get3A_12 = memref.load %arg5[%get3A_11] : memref<512xi32, #tpu.memory_space<smem>>
    %shift_right_arithmetic3A = arith.constant 7 : i32
    %shift_right_arithmetic3A_13 = arith.shrsi %get3A_12, %shift_right_arithmetic3A : i32
    %mul3A_14 = arith.constant 128 : i32
    %mul3A_15 = arith.muli %shift_right_arithmetic3A_13, %mul3A_14 : i32
    %multiple_of3A_16 = tpu.assume_multiple %mul3A_15, 128 : i32
    %dma_start3A = arith.constant 0 : i32
    %dma_start3A_17 = arith.constant 0 : i32
    %dma_start3A_18 = arith.constant 0 : i32
    %dma_start3A_19 = tpu.memref_slice %arg7[%dma_start3A, %dma_start3A_17, %dma_start3A_18] : memref<8x32x128xf32, #tpu.memory_space<vmem>> -> memref<1x32x128xf32, #tpu.memory_space<vmem>>
    %dma_start3A_20 = tpu.memref_squeeze %dma_start3A_19 : memref<1x32x128xf32, #tpu.memory_space<vmem>> -> memref<32x128xf32, #tpu.memory_space<vmem>>
    %dma_start3A_21 = arith.constant 0 : i32
    %dma_start3A_22 = tpu.memref_slice %arg3[%dma_start3A_21, %multiple_of3A_16] : memref<32x1000000xf32, #tpu.memory_space<hbm>> -> memref<32x128xf32, #tpu.memory_space<hbm>>
    %dma_start3A_23 = arith.constant 0 : i32
    %dma_start3A_24 = arith.constant 0 : i32
    %dma_start3A_25 = tpu.memref_slice %arg7[%dma_start3A, %dma_start3A_23, %dma_start3A_24] : memref<8x32x128xf32, #tpu.memory_space<vmem>> -> memref<1x32x128xf32, #tpu.memory_space<vmem>>
    %dma_start3A_26 = tpu.memref_squeeze %dma_start3A_25 : memref<1x32x128xf32, #tpu.memory_space<vmem>> -> memref<32x128xf32, #tpu.memory_space<vmem>>
    %dma_start3A_27 = arith.constant 0 : i32
    %dma_start3A_28 = tpu.memref_slice %arg3[%dma_start3A_27, %multiple_of3A_16] : memref<32x1000000xf32, #tpu.memory_space<hbm>> -> memref<32x128xf32, #tpu.memory_space<hbm>>
    tpu.enqueue_dma source(%dma_start3A_28 : memref<32x128xf32, #tpu.memory_space<hbm>>) target(%dma_start3A_26 : memref<32x128xf32, #tpu.memory_space<vmem>>) target_semaphore(%arg9 : memref<!tpu.dma_semaphore, #tpu.memory_space<semaphore_mem>>)
    %get3A_29 = arith.constant 1 : i32
    %get3A_30 = arith.index_cast %get3A_29 : i32 to index
    %get3A_31 = memref.load %arg5[%get3A_30] : memref<512xi32, #tpu.memory_space<smem>>
    %shift_right_arithmetic3A_32 = arith.constant 7 : i32
    %shift_right_arithmetic3A_33 = arith.shrsi %get3A_31, %shift_right_arithmetic3A_32 : i32
    %mul3A_34 = arith.constant 128 : i32
    %mul3A_35 = arith.muli %shift_right_arithmetic3A_33, %mul3A_34 : i32
    %multiple_of3A_36 = tpu.assume_multiple %mul3A_35, 128 : i32
    %dma_start3A_37 = arith.constant 1 : i32
    %dma_start3A_38 = arith.constant 0 : i32
    %dma_start3A_39 = arith.constant 0 : i32
    %dma_start3A_40 = tpu.memref_slice %arg7[%dma_start3A_37, %dma_start3A_38, %dma_start3A_39] : memref<8x32x128xf32, #tpu.memory_space<vmem>> -> memref<1x32x128xf32, #tpu.memory_space<vmem>>
    %dma_start3A_41 = tpu.memref_squeeze %dma_start3A_40 : memref<1x32x128xf32, #tpu.memory_space<vmem>> -> memref<32x128xf32, #tpu.memory_space<vmem>>
    %dma_start3A_42 = arith.constant 0 : i32
    %dma_start3A_43 = tpu.memref_slice %arg3[%dma_start3A_42, %multiple_of3A_36] : memref<32x1000000xf32, #tpu.memory_space<hbm>> -> memref<32x128xf32, #tpu.memory_space<hbm>>
    %dma_start3A_44 = arith.constant 0 : i32
    %dma_start3A_45 = arith.constant 0 : i32
    %dma_start3A_46 = tpu.memref_slice %arg7[%dma_start3A_37, %dma_start3A_44, %dma_start3A_45] : memref<8x32x128xf32, #tpu.memory_space<vmem>> -> memref<1x32x128xf32, #tpu.memory_space<vmem>>
    %dma_start3A_47 = tpu.memref_squeeze %dma_start3A_46 : memref<1x32x128xf32, #tpu.memory_space<vmem>> -> memref<32x128xf32, #tpu.memory_space<vmem>>
    %dma_start3A_48 = arith.constant 0 : i32
    %dma_start3A_49 = tpu.memref_slice %arg3[%dma_start3A_48, %multiple_of3A_36] : memref<32x1000000xf32, #tpu.memory_space<hbm>> -> memref<32x128xf32, #tpu.memory_space<hbm>>
    tpu.enqueue_dma source(%dma_start3A_49 : memref<32x128xf32, #tpu.memory_space<hbm>>) target(%dma_start3A_47 : memref<32x128xf32, #tpu.memory_space<vmem>>) target_semaphore(%arg10 : memref<!tpu.dma_semaphore, #tpu.memory_space<semaphore_mem>>)
    %get3A_50 = arith.constant 2 : i32
    %get3A_51 = arith.index_cast %get3A_50 : i32 to index
    %get3A_52 = memref.load %arg5[%get3A_51] : memref<512xi32, #tpu.memory_space<smem>>
    %shift_right_arithmetic3A_53 = arith.constant 7 : i32
    %shift_right_arithmetic3A_54 = arith.shrsi %get3A_52, %shift_right_arithmetic3A_53 : i32
    %mul3A_55 = arith.constant 128 : i32
    %mul3A_56 = arith.muli %shift_right_arithmetic3A_54, %mul3A_55 : i32
    %multiple_of3A_57 = tpu.assume_multiple %mul3A_56, 128 : i32
    %dma_start3A_58 = arith.constant 2 : i32
    %dma_start3A_59 = arith.constant 0 : i32
    %dma_start3A_60 = arith.constant 0 : i32
    %dma_start3A_61 = tpu.memref_slice %arg7[%dma_start3A_58, %dma_start3A_59, %dma_start3A_60] : memref<8x32x128xf32, #tpu.memory_space<vmem>> -> memref<1x32x128xf32, #tpu.memory_space<vmem>>
    %dma_start3A_62 = tpu.memref_squeeze %dma_start3A_61 : memref<1x32x128xf32, #tpu.memory_space<vmem>> -> memref<32x128xf32, #tpu.memory_space<vmem>>
    %dma_start3A_63 = arith.constant 0 : i32
    %dma_start3A_64 = tpu.memref_slice %arg3[%dma_start3A_63, %multiple_of3A_57] : memref<32x1000000xf32, #tpu.memory_space<hbm>> -> memref<32x128xf32, #tpu.memory_space<hbm>>
    %dma_start3A_65 = arith.constant 0 : i32
    %dma_start3A_66 = arith.constant 0 : i32
    %dma_start3A_67 = tpu.memref_slice %arg7[%dma_start3A_58, %dma_start3A_65, %dma_start3A_66] : memref<8x32x128xf32, #tpu.memory_space<vmem>> -> memref<1x32x128xf32, #tpu.memory_space<vmem>>
    %dma_start3A_68 = tpu.memref_squeeze %dma_start3A_67 : memref<1x32x128xf32, #tpu.memory_space<vmem>> -> memref<32x128xf32, #tpu.memory_space<vmem>>
    %dma_start3A_69 = arith.constant 0 : i32
    %dma_start3A_70 = tpu.memref_slice %arg3[%dma_start3A_69, %multiple_of3A_57] : memref<32x1000000xf32, #tpu.memory_space<hbm>> -> memref<32x128xf32, #tpu.memory_space<hbm>>
    tpu.enqueue_dma source(%dma_start3A_70 : memref<32x128xf32, #tpu.memory_space<hbm>>) target(%dma_start3A_68 : memref<32x128xf32, #tpu.memory_space<vmem>>) target_semaphore(%arg11 : memref<!tpu.dma_semaphore, #tpu.memory_space<semaphore_mem>>)
    %get3A_71 = arith.constant 3 : i32
    %get3A_72 = arith.index_cast %get3A_71 : i32 to index
    %get3A_73 = memref.load %arg5[%get3A_72] : memref<512xi32, #tpu.memory_space<smem>>
    %shift_right_arithmetic3A_74 = arith.constant 7 : i32
    %shift_right_arithmetic3A_75 = arith.shrsi %get3A_73, %shift_right_arithmetic3A_74 : i32
    %mul3A_76 = arith.constant 128 : i32
    %mul3A_77 = arith.muli %shift_right_arithmetic3A_75, %mul3A_76 : i32
    %multiple_of3A_78 = tpu.assume_multiple %mul3A_77, 128 : i32
    %dma_start3A_79 = arith.constant 3 : i32
    %dma_start3A_80 = arith.constant 0 : i32
    %dma_start3A_81 = arith.constant 0 : i32
    %dma_start3A_82 = tpu.memref_slice %arg7[%dma_start3A_79, %dma_start3A_80, %dma_start3A_81] : memref<8x32x128xf32, #tpu.memory_space<vmem>> -> memref<1x32x128xf32, #tpu.memory_space<vmem>>
    %dma_start3A_83 = tpu.memref_squeeze %dma_start3A_82 : memref<1x32x128xf32, #tpu.memory_space<vmem>> -> memref<32x128xf32, #tpu.memory_space<vmem>>
    %dma_start3A_84 = arith.constant 0 : i32
    %dma_start3A_85 = tpu.memref_slice %arg3[%dma_start3A_84, %multiple_of3A_78] : memref<32x1000000xf32, #tpu.memory_space<hbm>> -> memref<32x128xf32, #tpu.memory_space<hbm>>
    %dma_start3A_86 = arith.constant 0 : i32
    %dma_start3A_87 = arith.constant 0 : i32
    %dma_start3A_88 = tpu.memref_slice %arg7[%dma_start3A_79, %dma_start3A_86, %dma_start3A_87] : memref<8x32x128xf32, #tpu.memory_space<vmem>> -> memref<1x32x128xf32, #tpu.memory_space<vmem>>
    %dma_start3A_89 = tpu.memref_squeeze %dma_start3A_88 : memref<1x32x128xf32, #tpu.memory_space<vmem>> -> memref<32x128xf32, #tpu.memory_space<vmem>>
    %dma_start3A_90 = arith.constant 0 : i32
    %dma_start3A_91 = tpu.memref_slice %arg3[%dma_start3A_90, %multiple_of3A_78] : memref<32x1000000xf32, #tpu.memory_space<hbm>> -> memref<32x128xf32, #tpu.memory_space<hbm>>
    tpu.enqueue_dma source(%dma_start3A_91 : memref<32x128xf32, #tpu.memory_space<hbm>>) target(%dma_start3A_89 : memref<32x128xf32, #tpu.memory_space<vmem>>) target_semaphore(%arg12 : memref<!tpu.dma_semaphore, #tpu.memory_space<semaphore_mem>>)
    %get3A_92 = arith.constant 4 : i32
    %get3A_93 = arith.index_cast %get3A_92 : i32 to index
    %get3A_94 = memref.load %arg5[%get3A_93] : memref<512xi32, #tpu.memory_space<smem>>
    %shift_right_arithmetic3A_95 = arith.constant 7 : i32
    %shift_right_arithmetic3A_96 = arith.shrsi %get3A_94, %shift_right_arithmetic3A_95 : i32
    %mul3A_97 = arith.constant 128 : i32
    %mul3A_98 = arith.muli %shift_right_arithmetic3A_96, %mul3A_97 : i32
    %multiple_of3A_99 = tpu.assume_multiple %mul3A_98, 128 : i32
    %dma_start3A_100 = arith.constant 4 : i32
    %dma_start3A_101 = arith.constant 0 : i32
    %dma_start3A_102 = arith.constant 0 : i32
    %dma_start3A_103 = tpu.memref_slice %arg7[%dma_start3A_100, %dma_start3A_101, %dma_start3A_102] : memref<8x32x128xf32, #tpu.memory_space<vmem>> -> memref<1x32x128xf32, #tpu.memory_space<vmem>>
    %dma_start3A_104 = tpu.memref_squeeze %dma_start3A_103 : memref<1x32x128xf32, #tpu.memory_space<vmem>> -> memref<32x128xf32, #tpu.memory_space<vmem>>
    %dma_start3A_105 = arith.constant 0 : i32
    %dma_start3A_106 = tpu.memref_slice %arg3[%dma_start3A_105, %multiple_of3A_99] : memref<32x1000000xf32, #tpu.memory_space<hbm>> -> memref<32x128xf32, #tpu.memory_space<hbm>>
    %dma_start3A_107 = arith.constant 0 : i32
    %dma_start3A_108 = arith.constant 0 : i32
    %dma_start3A_109 = tpu.memref_slice %arg7[%dma_start3A_100, %dma_start3A_107, %dma_start3A_108] : memref<8x32x128xf32, #tpu.memory_space<vmem>> -> memref<1x32x128xf32, #tpu.memory_space<vmem>>
    %dma_start3A_110 = tpu.memref_squeeze %dma_start3A_109 : memref<1x32x128xf32, #tpu.memory_space<vmem>> -> memref<32x128xf32, #tpu.memory_space<vmem>>
    %dma_start3A_111 = arith.constant 0 : i32
    %dma_start3A_112 = tpu.memref_slice %arg3[%dma_start3A_111, %multiple_of3A_99] : memref<32x1000000xf32, #tpu.memory_space<hbm>> -> memref<32x128xf32, #tpu.memory_space<hbm>>
    tpu.enqueue_dma source(%dma_start3A_112 : memref<32x128xf32, #tpu.memory_space<hbm>>) target(%dma_start3A_110 : memref<32x128xf32, #tpu.memory_space<vmem>>) target_semaphore(%arg13 : memref<!tpu.dma_semaphore, #tpu.memory_space<semaphore_mem>>)
    %get3A_113 = arith.constant 5 : i32
    %get3A_114 = arith.index_cast %get3A_113 : i32 to index
    %get3A_115 = memref.load %arg5[%get3A_114] : memref<512xi32, #tpu.memory_space<smem>>
    %shift_right_arithmetic3A_116 = arith.constant 7 : i32
    %shift_right_arithmetic3A_117 = arith.shrsi %get3A_115, %shift_right_arithmetic3A_116 : i32
    %mul3A_118 = arith.constant 128 : i32
    %mul3A_119 = arith.muli %shift_right_arithmetic3A_117, %mul3A_118 : i32
    %multiple_of3A_120 = tpu.assume_multiple %mul3A_119, 128 : i32
    %dma_start3A_121 = arith.constant 5 : i32
    %dma_start3A_122 = arith.constant 0 : i32
    %dma_start3A_123 = arith.constant 0 : i32
    %dma_start3A_124 = tpu.memref_slice %arg7[%dma_start3A_121, %dma_start3A_122, %dma_start3A_123] : memref<8x32x128xf32, #tpu.memory_space<vmem>> -> memref<1x32x128xf32, #tpu.memory_space<vmem>>
    %dma_start3A_125 = tpu.memref_squeeze %dma_start3A_124 : memref<1x32x128xf32, #tpu.memory_space<vmem>> -> memref<32x128xf32, #tpu.memory_space<vmem>>
    %dma_start3A_126 = arith.constant 0 : i32
    %dma_start3A_127 = tpu.memref_slice %arg3[%dma_start3A_126, %multiple_of3A_120] : memref<32x1000000xf32, #tpu.memory_space<hbm>> -> memref<32x128xf32, #tpu.memory_space<hbm>>
    %dma_start3A_128 = arith.constant 0 : i32
    %dma_start3A_129 = arith.constant 0 : i32
    %dma_start3A_130 = tpu.memref_slice %arg7[%dma_start3A_121, %dma_start3A_128, %dma_start3A_129] : memref<8x32x128xf32, #tpu.memory_space<vmem>> -> memref<1x32x128xf32, #tpu.memory_space<vmem>>
    %dma_start3A_131 = tpu.memref_squeeze %dma_start3A_130 : memref<1x32x128xf32, #tpu.memory_space<vmem>> -> memref<32x128xf32, #tpu.memory_space<vmem>>
    %dma_start3A_132 = arith.constant 0 : i32
    %dma_start3A_133 = tpu.memref_slice %arg3[%dma_start3A_132, %multiple_of3A_120] : memref<32x1000000xf32, #tpu.memory_space<hbm>> -> memref<32x128xf32, #tpu.memory_space<hbm>>
    tpu.enqueue_dma source(%dma_start3A_133 : memref<32x128xf32, #tpu.memory_space<hbm>>) target(%dma_start3A_131 : memref<32x128xf32, #tpu.memory_space<vmem>>) target_semaphore(%arg14 : memref<!tpu.dma_semaphore, #tpu.memory_space<semaphore_mem>>)
    %get3A_134 = arith.constant 6 : i32
    %get3A_135 = arith.index_cast %get3A_134 : i32 to index
    %get3A_136 = memref.load %arg5[%get3A_135] : memref<512xi32, #tpu.memory_space<smem>>
    %shift_right_arithmetic3A_137 = arith.constant 7 : i32
    %shift_right_arithmetic3A_138 = arith.shrsi %get3A_136, %shift_right_arithmetic3A_137 : i32
    %mul3A_139 = arith.constant 128 : i32
    %mul3A_140 = arith.muli %shift_right_arithmetic3A_138, %mul3A_139 : i32
    %multiple_of3A_141 = tpu.assume_multiple %mul3A_140, 128 : i32
    %dma_start3A_142 = arith.constant 6 : i32
    %dma_start3A_143 = arith.constant 0 : i32
    %dma_start3A_144 = arith.constant 0 : i32
    %dma_start3A_145 = tpu.memref_slice %arg7[%dma_start3A_142, %dma_start3A_143, %dma_start3A_144] : memref<8x32x128xf32, #tpu.memory_space<vmem>> -> memref<1x32x128xf32, #tpu.memory_space<vmem>>
    %dma_start3A_146 = tpu.memref_squeeze %dma_start3A_145 : memref<1x32x128xf32, #tpu.memory_space<vmem>> -> memref<32x128xf32, #tpu.memory_space<vmem>>
    %dma_start3A_147 = arith.constant 0 : i32
    %dma_start3A_148 = tpu.memref_slice %arg3[%dma_start3A_147, %multiple_of3A_141] : memref<32x1000000xf32, #tpu.memory_space<hbm>> -> memref<32x128xf32, #tpu.memory_space<hbm>>
    %dma_start3A_149 = arith.constant 0 : i32
    %dma_start3A_150 = arith.constant 0 : i32
    %dma_start3A_151 = tpu.memref_slice %arg7[%dma_start3A_142, %dma_start3A_149, %dma_start3A_150] : memref<8x32x128xf32, #tpu.memory_space<vmem>> -> memref<1x32x128xf32, #tpu.memory_space<vmem>>
    %dma_start3A_152 = tpu.memref_squeeze %dma_start3A_151 : memref<1x32x128xf32, #tpu.memory_space<vmem>> -> memref<32x128xf32, #tpu.memory_space<vmem>>
    %dma_start3A_153 = arith.constant 0 : i32
    %dma_start3A_154 = tpu.memref_slice %arg3[%dma_start3A_153, %multiple_of3A_141] : memref<32x1000000xf32, #tpu.memory_space<hbm>> -> memref<32x128xf32, #tpu.memory_space<hbm>>
    tpu.enqueue_dma source(%dma_start3A_154 : memref<32x128xf32, #tpu.memory_space<hbm>>) target(%dma_start3A_152 : memref<32x128xf32, #tpu.memory_space<vmem>>) target_semaphore(%arg15 : memref<!tpu.dma_semaphore, #tpu.memory_space<semaphore_mem>>)
    %get3A_155 = arith.constant 7 : i32
    %get3A_156 = arith.index_cast %get3A_155 : i32 to index
    %get3A_157 = memref.load %arg5[%get3A_156] : memref<512xi32, #tpu.memory_space<smem>>
    %shift_right_arithmetic3A_158 = arith.constant 7 : i32
    %shift_right_arithmetic3A_159 = arith.shrsi %get3A_157, %shift_right_arithmetic3A_158 : i32
    %mul3A_160 = arith.constant 128 : i32
    %mul3A_161 = arith.muli %shift_right_arithmetic3A_159, %mul3A_160 : i32
    %multiple_of3A_162 = tpu.assume_multiple %mul3A_161, 128 : i32
    %dma_start3A_163 = arith.constant 7 : i32
    %dma_start3A_164 = arith.constant 0 : i32
    %dma_start3A_165 = arith.constant 0 : i32
    %dma_start3A_166 = tpu.memref_slice %arg7[%dma_start3A_163, %dma_start3A_164, %dma_start3A_165] : memref<8x32x128xf32, #tpu.memory_space<vmem>> -> memref<1x32x128xf32, #tpu.memory_space<vmem>>
    %dma_start3A_167 = tpu.memref_squeeze %dma_start3A_166 : memref<1x32x128xf32, #tpu.memory_space<vmem>> -> memref<32x128xf32, #tpu.memory_space<vmem>>
    %dma_start3A_168 = arith.constant 0 : i32
    %dma_start3A_169 = tpu.memref_slice %arg3[%dma_start3A_168, %multiple_of3A_162] : memref<32x1000000xf32, #tpu.memory_space<hbm>> -> memref<32x128xf32, #tpu.memory_space<hbm>>
    %dma_start3A_170 = arith.constant 0 : i32
    %dma_start3A_171 = arith.constant 0 : i32
    %dma_start3A_172 = tpu.memref_slice %arg7[%dma_start3A_163, %dma_start3A_170, %dma_start3A_171] : memref<8x32x128xf32, #tpu.memory_space<vmem>> -> memref<1x32x128xf32, #tpu.memory_space<vmem>>
    %dma_start3A_173 = tpu.memref_squeeze %dma_start3A_172 : memref<1x32x128xf32, #tpu.memory_space<vmem>> -> memref<32x128xf32, #tpu.memory_space<vmem>>
    %dma_start3A_174 = arith.constant 0 : i32
    %dma_start3A_175 = tpu.memref_slice %arg3[%dma_start3A_174, %multiple_of3A_162] : memref<32x1000000xf32, #tpu.memory_space<hbm>> -> memref<32x128xf32, #tpu.memory_space<hbm>>
    tpu.enqueue_dma source(%dma_start3A_175 : memref<32x128xf32, #tpu.memory_space<hbm>>) target(%dma_start3A_173 : memref<32x128xf32, #tpu.memory_space<vmem>>) target_semaphore(%arg16 : memref<!tpu.dma_semaphore, #tpu.memory_space<semaphore_mem>>)
    %scan3A_176 = arith.constant 0 : i32
    %scan3A_177 = arith.constant 0 : i32
    %scan3A_178 = arith.constant 64 : i32
    %scan3A_179 = arith.addi %scan3A_177, %scan3A_178 : i32
    %scan3A_180 = arith.constant 1 : i32
    scf.for %scan3A_182 = %scan3A_177 to %scan3A_179 step %scan3A_180  : i32 {
      %mul3A_183 = arith.constant 8 : i32
      %mul3A_184 = arith.muli %scan3A_182, %mul3A_183 : i32
      %add3A_185 = arith.constant 0 : i32
      %add3A_186 = arith.addi %mul3A_184, %add3A_185 : i32
      %dma_wait3A = arith.constant 0 : i32
      %dma_wait3A_187 = arith.constant 0 : i32
      %dma_wait3A_188 = arith.constant 0 : i32
      %dma_wait3A_189 = tpu.memref_slice %arg7[%dma_wait3A, %dma_wait3A_187, %dma_wait3A_188] : memref<8x32x128xf32, #tpu.memory_space<vmem>> -> memref<1x32x128xf32, #tpu.memory_space<vmem>>
      %dma_wait3A_190 = tpu.memref_squeeze %dma_wait3A_189 : memref<1x32x128xf32, #tpu.memory_space<vmem>> -> memref<32x128xf32, #tpu.memory_space<vmem>>
      %dma_wait3A_191 = arith.constant 0 : i32
      %dma_wait3A_192 = arith.constant 0 : i32
      %dma_wait3A_193 = tpu.memref_slice %arg3[%dma_wait3A_191, %dma_wait3A_192] : memref<32x1000000xf32, #tpu.memory_space<hbm>> -> memref<32x128xf32, #tpu.memory_space<hbm>>
      %dma_wait3A_194 = arith.constant 0 : i32
      %dma_wait3A_195 = arith.constant 0 : i32
      %dma_wait3A_196 = tpu.memref_slice %arg7[%dma_wait3A, %dma_wait3A_194, %dma_wait3A_195] : memref<8x32x128xf32, #tpu.memory_space<vmem>> -> memref<1x32x128xf32, #tpu.memory_space<vmem>>
      %dma_wait3A_197 = tpu.memref_squeeze %dma_wait3A_196 : memref<1x32x128xf32, #tpu.memory_space<vmem>> -> memref<32x128xf32, #tpu.memory_space<vmem>>
      %dma_wait3A_198 = arith.constant 0 : i32
      %dma_wait3A_199 = arith.constant 0 : i32
      %dma_wait3A_200 = tpu.memref_slice %arg3[%dma_wait3A_198, %dma_wait3A_199] : memref<32x1000000xf32, #tpu.memory_space<hbm>> -> memref<32x128xf32, #tpu.memory_space<hbm>>
      tpu.wait_dma2 semaphore(%arg9 : memref<!tpu.dma_semaphore, #tpu.memory_space<semaphore_mem>>) src(%dma_wait3A_200 : memref<32x128xf32, #tpu.memory_space<hbm>>) dst(%dma_wait3A_197 : memref<32x128xf32, #tpu.memory_space<vmem>>)
      %get3A_201 = arith.index_cast %add3A_186 : i32 to index
      %get3A_202 = memref.load %arg5[%get3A_201] : memref<512xi32, #tpu.memory_space<smem>>
      %and3A = arith.constant 127 : i32
      %and3A_203 = arith.andi %get3A_202, %and3A : i32
      %broadcast_in_dim3A = vector.broadcast %and3A_203 : i32 to vector<16xi32>
      %broadcast_in_dim3A_204 = vector.broadcast %add3A_186 : i32 to vector<16xi32>
      %gather3A = arith.constant 0 : i32
      %gather3A_205 = arith.constant 0 : i32
      %gather3A_206 = arith.constant 0 : i32
      %gather3A_207 = tpu.memref_slice %arg7[%gather3A, %gather3A_205, %gather3A_206] : memref<8x32x128xf32, #tpu.memory_space<vmem>> -> memref<1x32x128xf32, #tpu.memory_space<vmem>>
      %gather3A_208 = tpu.memref_squeeze %gather3A_207 : memref<1x32x128xf32, #tpu.memory_space<vmem>> -> memref<32x128xf32, #tpu.memory_space<vmem>>
      %gather3A_209 = tpu.vector_load_idx %gather3A_208[%iota3A, %broadcast_in_dim3A] : memref<32x128xf32, #tpu.memory_space<vmem>>[vector<16xi32>, vector<16xi32>], vector<16xf32>,
      %gather3A_210 = arith.constant 0 : i32
      %gather3A_211 = arith.constant 0 : i32
      %gather3A_212 = arith.constant 0 : i32
      %gather3A_213 = tpu.memref_slice %arg7[%gather3A_210, %gather3A_211, %gather3A_212] : memref<8x32x128xf32, #tpu.memory_space<vmem>> -> memref<1x32x128xf32, #tpu.memory_space<vmem>>
      %gather3A_214 = tpu.memref_squeeze %gather3A_213 : memref<1x32x128xf32, #tpu.memory_space<vmem>> -> memref<32x128xf32, #tpu.memory_space<vmem>>
      %gather3A_215 = tpu.vector_load_idx %gather3A_214[%add3A_10, %broadcast_in_dim3A] : memref<32x128xf32, #tpu.memory_space<vmem>>[vector<16xi32>, vector<16xi32>], vector<16xf32>,
      tpu.vector_store_idx %arg8[%iota3A, %broadcast_in_dim3A_204], %gather3A_209 : memref<32x512xf32, #tpu.memory_space<vmem>>[vector<16xi32>, vector<16xi32>], vector<16xf32>,
      tpu.vector_store_idx %arg8[%add3A_10, %broadcast_in_dim3A_204], %gather3A_215 : memref<32x512xf32, #tpu.memory_space<vmem>>[vector<16xi32>, vector<16xi32>], vector<16xf32>,
      %lt3A = arith.constant 63 : i32
      %lt3A_216 = arith.cmpi slt, %scan3A_182, %lt3A : i32
      %convert_element_type3A = arith.extui %lt3A_216 : i1 to i32
      %cond3A = arith.constant 0 : i32
      %cond3A_217 = arith.cmpi ne, %convert_element_type3A, %cond3A : i32
      scf.if %cond3A_217 {
        %add3A_512 = arith.constant 8 : i32
        %add3A_513 = arith.addi %add3A_186, %add3A_512 : i32
        %get3A_514 = arith.index_cast %add3A_513 : i32 to index
        %get3A_515 = memref.load %arg5[%get3A_514] : memref<512xi32, #tpu.memory_space<smem>>
        %shift_right_arithmetic3A_516 = arith.constant 7 : i32
        %shift_right_arithmetic3A_517 = arith.shrsi %get3A_515, %shift_right_arithmetic3A_516 : i32
        %mul3A_518 = arith.constant 128 : i32
        %mul3A_519 = arith.muli %shift_right_arithmetic3A_517, %mul3A_518 : i32
        %multiple_of3A_520 = tpu.assume_multiple %mul3A_519, 128 : i32
        %dma_start3A_521 = arith.constant 0 : i32
        %dma_start3A_522 = arith.constant 0 : i32
        %dma_start3A_523 = arith.constant 0 : i32
        %dma_start3A_524 = tpu.memref_slice %arg7[%dma_start3A_521, %dma_start3A_522, %dma_start3A_523] : memref<8x32x128xf32, #tpu.memory_space<vmem>> -> memref<1x32x128xf32, #tpu.memory_space<vmem>>
        %dma_start3A_525 = tpu.memref_squeeze %dma_start3A_524 : memref<1x32x128xf32, #tpu.memory_space<vmem>> -> memref<32x128xf32, #tpu.memory_space<vmem>>
        %dma_start3A_526 = arith.constant 0 : i32
        %dma_start3A_527 = tpu.memref_slice %arg3[%dma_start3A_526, %multiple_of3A_520] : memref<32x1000000xf32, #tpu.memory_space<hbm>> -> memref<32x128xf32, #tpu.memory_space<hbm>>
        %dma_start3A_528 = arith.constant 0 : i32
        %dma_start3A_529 = arith.constant 0 : i32
        %dma_start3A_530 = tpu.memref_slice %arg7[%dma_start3A_521, %dma_start3A_528, %dma_start3A_529] : memref<8x32x128xf32, #tpu.memory_space<vmem>> -> memref<1x32x128xf32, #tpu.memory_space<vmem>>
        %dma_start3A_531 = tpu.memref_squeeze %dma_start3A_530 : memref<1x32x128xf32, #tpu.memory_space<vmem>> -> memref<32x128xf32, #tpu.memory_space<vmem>>
        %dma_start3A_532 = arith.constant 0 : i32
        %dma_start3A_533 = tpu.memref_slice %arg3[%dma_start3A_532, %multiple_of3A_520] : memref<32x1000000xf32, #tpu.memory_space<hbm>> -> memref<32x128xf32, #tpu.memory_space<hbm>>
        tpu.enqueue_dma source(%dma_start3A_533 : memref<32x128xf32, #tpu.memory_space<hbm>>) target(%dma_start3A_531 : memref<32x128xf32, #tpu.memory_space<vmem>>) target_semaphore(%arg9 : memref<!tpu.dma_semaphore, #tpu.memory_space<semaphore_mem>>)
      } else {
      }
      %mul3A_218 = arith.constant 8 : i32
      %mul3A_219 = arith.muli %scan3A_182, %mul3A_218 : i32
      %add3A_220 = arith.constant 1 : i32
      %add3A_221 = arith.addi %mul3A_219, %add3A_220 : i32
      %dma_wait3A_222 = arith.constant 1 : i32
      %dma_wait3A_223 = arith.constant 0 : i32
      %dma_wait3A_224 = arith.constant 0 : i32
      %dma_wait3A_225 = tpu.memref_slice %arg7[%dma_wait3A_222, %dma_wait3A_223, %dma_wait3A_224] : memref<8x32x128xf32, #tpu.memory_space<vmem>> -> memref<1x32x128xf32, #tpu.memory_space<vmem>>
      %dma_wait3A_226 = tpu.memref_squeeze %dma_wait3A_225 : memref<1x32x128xf32, #tpu.memory_space<vmem>> -> memref<32x128xf32, #tpu.memory_space<vmem>>
      %dma_wait3A_227 = arith.constant 0 : i32
      %dma_wait3A_228 = arith.constant 0 : i32
      %dma_wait3A_229 = tpu.memref_slice %arg3[%dma_wait3A_227, %dma_wait3A_228] : memref<32x1000000xf32, #tpu.memory_space<hbm>> -> memref<32x128xf32, #tpu.memory_space<hbm>>
      %dma_wait3A_230 = arith.constant 0 : i32
      %dma_wait3A_231 = arith.constant 0 : i32
      %dma_wait3A_232 = tpu.memref_slice %arg7[%dma_wait3A_222, %dma_wait3A_230, %dma_wait3A_231] : memref<8x32x128xf32, #tpu.memory_space<vmem>> -> memref<1x32x128xf32, #tpu.memory_space<vmem>>
      %dma_wait3A_233 = tpu.memref_squeeze %dma_wait3A_232 : memref<1x32x128xf32, #tpu.memory_space<vmem>> -> memref<32x128xf32, #tpu.memory_space<vmem>>
      %dma_wait3A_234 = arith.constant 0 : i32
      %dma_wait3A_235 = arith.constant 0 : i32
      %dma_wait3A_236 = tpu.memref_slice %arg3[%dma_wait3A_234, %dma_wait3A_235] : memref<32x1000000xf32, #tpu.memory_space<hbm>> -> memref<32x128xf32, #tpu.memory_space<hbm>>
      tpu.wait_dma2 semaphore(%arg10 : memref<!tpu.dma_semaphore, #tpu.memory_space<semaphore_mem>>) src(%dma_wait3A_236 : memref<32x128xf32, #tpu.memory_space<hbm>>) dst(%dma_wait3A_233 : memref<32x128xf32, #tpu.memory_space<vmem>>)
      %get3A_237 = arith.index_cast %add3A_221 : i32 to index
      %get3A_238 = memref.load %arg5[%get3A_237] : memref<512xi32, #tpu.memory_space<smem>>
      %and3A_239 = arith.constant 127 : i32
      %and3A_240 = arith.andi %get3A_238, %and3A_239 : i32
      %broadcast_in_dim3A_241 = vector.broadcast %and3A_240 : i32 to vector<16xi32>
      %broadcast_in_dim3A_242 = vector.broadcast %add3A_221 : i32 to vector<16xi32>
      %gather3A_243 = arith.constant 1 : i32
      %gather3A_244 = arith.constant 0 : i32
      %gather3A_245 = arith.constant 0 : i32
      %gather3A_246 = tpu.memref_slice %arg7[%gather3A_243, %gather3A_244, %gather3A_245] : memref<8x32x128xf32, #tpu.memory_space<vmem>> -> memref<1x32x128xf32, #tpu.memory_space<vmem>>
      %gather3A_247 = tpu.memref_squeeze %gather3A_246 : memref<1x32x128xf32, #tpu.memory_space<vmem>> -> memref<32x128xf32, #tpu.memory_space<vmem>>
      %gather3A_248 = tpu.vector_load_idx %gather3A_247[%iota3A, %broadcast_in_dim3A_241] : memref<32x128xf32, #tpu.memory_space<vmem>>[vector<16xi32>, vector<16xi32>], vector<16xf32>,
      %gather3A_249 = arith.constant 1 : i32
      %gather3A_250 = arith.constant 0 : i32
      %gather3A_251 = arith.constant 0 : i32
      %gather3A_252 = tpu.memref_slice %arg7[%gather3A_249, %gather3A_250, %gather3A_251] : memref<8x32x128xf32, #tpu.memory_space<vmem>> -> memref<1x32x128xf32, #tpu.memory_space<vmem>>
      %gather3A_253 = tpu.memref_squeeze %gather3A_252 : memref<1x32x128xf32, #tpu.memory_space<vmem>> -> memref<32x128xf32, #tpu.memory_space<vmem>>
      %gather3A_254 = tpu.vector_load_idx %gather3A_253[%add3A_10, %broadcast_in_dim3A_241] : memref<32x128xf32, #tpu.memory_space<vmem>>[vector<16xi32>, vector<16xi32>], vector<16xf32>,
      tpu.vector_store_idx %arg8[%iota3A, %broadcast_in_dim3A_242], %gather3A_248 : memref<32x512xf32, #tpu.memory_space<vmem>>[vector<16xi32>, vector<16xi32>], vector<16xf32>,
      tpu.vector_store_idx %arg8[%add3A_10, %broadcast_in_dim3A_242], %gather3A_254 : memref<32x512xf32, #tpu.memory_space<vmem>>[vector<16xi32>, vector<16xi32>], vector<16xf32>,
      %lt3A_255 = arith.constant 63 : i32
      %lt3A_256 = arith.cmpi slt, %scan3A_182, %lt3A_255 : i32
      %convert_element_type3A_257 = arith.extui %lt3A_256 : i1 to i32
      %cond3A_258 = arith.constant 0 : i32
      %cond3A_259 = arith.cmpi ne, %convert_element_type3A_257, %cond3A_258 : i32
      scf.if %cond3A_259 {
        %add3A_512 = arith.constant 8 : i32
        %add3A_513 = arith.addi %add3A_221, %add3A_512 : i32
        %get3A_514 = arith.index_cast %add3A_513 : i32 to index
        %get3A_515 = memref.load %arg5[%get3A_514] : memref<512xi32, #tpu.memory_space<smem>>
        %shift_right_arithmetic3A_516 = arith.constant 7 : i32
        %shift_right_arithmetic3A_517 = arith.shrsi %get3A_515, %shift_right_arithmetic3A_516 : i32
        %mul3A_518 = arith.constant 128 : i32
        %mul3A_519 = arith.muli %shift_right_arithmetic3A_517, %mul3A_518 : i32
        %multiple_of3A_520 = tpu.assume_multiple %mul3A_519, 128 : i32
        %dma_start3A_521 = arith.constant 1 : i32
        %dma_start3A_522 = arith.constant 0 : i32
        %dma_start3A_523 = arith.constant 0 : i32
        %dma_start3A_524 = tpu.memref_slice %arg7[%dma_start3A_521, %dma_start3A_522, %dma_start3A_523] : memref<8x32x128xf32, #tpu.memory_space<vmem>> -> memref<1x32x128xf32, #tpu.memory_space<vmem>>
        %dma_start3A_525 = tpu.memref_squeeze %dma_start3A_524 : memref<1x32x128xf32, #tpu.memory_space<vmem>> -> memref<32x128xf32, #tpu.memory_space<vmem>>
        %dma_start3A_526 = arith.constant 0 : i32
        %dma_start3A_527 = tpu.memref_slice %arg3[%dma_start3A_526, %multiple_of3A_520] : memref<32x1000000xf32, #tpu.memory_space<hbm>> -> memref<32x128xf32, #tpu.memory_space<hbm>>
        %dma_start3A_528 = arith.constant 0 : i32
        %dma_start3A_529 = arith.constant 0 : i32
        %dma_start3A_530 = tpu.memref_slice %arg7[%dma_start3A_521, %dma_start3A_528, %dma_start3A_529] : memref<8x32x128xf32, #tpu.memory_space<vmem>> -> memref<1x32x128xf32, #tpu.memory_space<vmem>>
        %dma_start3A_531 = tpu.memref_squeeze %dma_start3A_530 : memref<1x32x128xf32, #tpu.memory_space<vmem>> -> memref<32x128xf32, #tpu.memory_space<vmem>>
        %dma_start3A_532 = arith.constant 0 : i32
        %dma_start3A_533 = tpu.memref_slice %arg3[%dma_start3A_532, %multiple_of3A_520] : memref<32x1000000xf32, #tpu.memory_space<hbm>> -> memref<32x128xf32, #tpu.memory_space<hbm>>
        tpu.enqueue_dma source(%dma_start3A_533 : memref<32x128xf32, #tpu.memory_space<hbm>>) target(%dma_start3A_531 : memref<32x128xf32, #tpu.memory_space<vmem>>) target_semaphore(%arg10 : memref<!tpu.dma_semaphore, #tpu.memory_space<semaphore_mem>>)
      } else {
      }
      %mul3A_260 = arith.constant 8 : i32
      %mul3A_261 = arith.muli %scan3A_182, %mul3A_260 : i32
      %add3A_262 = arith.constant 2 : i32
      %add3A_263 = arith.addi %mul3A_261, %add3A_262 : i32
      %dma_wait3A_264 = arith.constant 2 : i32
      %dma_wait3A_265 = arith.constant 0 : i32
      %dma_wait3A_266 = arith.constant 0 : i32
      %dma_wait3A_267 = tpu.memref_slice %arg7[%dma_wait3A_264, %dma_wait3A_265, %dma_wait3A_266] : memref<8x32x128xf32, #tpu.memory_space<vmem>> -> memref<1x32x128xf32, #tpu.memory_space<vmem>>
      %dma_wait3A_268 = tpu.memref_squeeze %dma_wait3A_267 : memref<1x32x128xf32, #tpu.memory_space<vmem>> -> memref<32x128xf32, #tpu.memory_space<vmem>>
      %dma_wait3A_269 = arith.constant 0 : i32
      %dma_wait3A_270 = arith.constant 0 : i32
      %dma_wait3A_271 = tpu.memref_slice %arg3[%dma_wait3A_269, %dma_wait3A_270] : memref<32x1000000xf32, #tpu.memory_space<hbm>> -> memref<32x128xf32, #tpu.memory_space<hbm>>
      %dma_wait3A_272 = arith.constant 0 : i32
      %dma_wait3A_273 = arith.constant 0 : i32
      %dma_wait3A_274 = tpu.memref_slice %arg7[%dma_wait3A_264, %dma_wait3A_272, %dma_wait3A_273] : memref<8x32x128xf32, #tpu.memory_space<vmem>> -> memref<1x32x128xf32, #tpu.memory_space<vmem>>
      %dma_wait3A_275 = tpu.memref_squeeze %dma_wait3A_274 : memref<1x32x128xf32, #tpu.memory_space<vmem>> -> memref<32x128xf32, #tpu.memory_space<vmem>>
      %dma_wait3A_276 = arith.constant 0 : i32
      %dma_wait3A_277 = arith.constant 0 : i32
      %dma_wait3A_278 = tpu.memref_slice %arg3[%dma_wait3A_276, %dma_wait3A_277] : memref<32x1000000xf32, #tpu.memory_space<hbm>> -> memref<32x128xf32, #tpu.memory_space<hbm>>
      tpu.wait_dma2 semaphore(%arg11 : memref<!tpu.dma_semaphore, #tpu.memory_space<semaphore_mem>>) src(%dma_wait3A_278 : memref<32x128xf32, #tpu.memory_space<hbm>>) dst(%dma_wait3A_275 : memref<32x128xf32, #tpu.memory_space<vmem>>)
      %get3A_279 = arith.index_cast %add3A_263 : i32 to index
      %get3A_280 = memref.load %arg5[%get3A_279] : memref<512xi32, #tpu.memory_space<smem>>
      %and3A_281 = arith.constant 127 : i32
      %and3A_282 = arith.andi %get3A_280, %and3A_281 : i32
      %broadcast_in_dim3A_283 = vector.broadcast %and3A_282 : i32 to vector<16xi32>
      %broadcast_in_dim3A_284 = vector.broadcast %add3A_263 : i32 to vector<16xi32>
      %gather3A_285 = arith.constant 2 : i32
      %gather3A_286 = arith.constant 0 : i32
      %gather3A_287 = arith.constant 0 : i32
      %gather3A_288 = tpu.memref_slice %arg7[%gather3A_285, %gather3A_286, %gather3A_287] : memref<8x32x128xf32, #tpu.memory_space<vmem>> -> memref<1x32x128xf32, #tpu.memory_space<vmem>>
      %gather3A_289 = tpu.memref_squeeze %gather3A_288 : memref<1x32x128xf32, #tpu.memory_space<vmem>> -> memref<32x128xf32, #tpu.memory_space<vmem>>
      %gather3A_290 = tpu.vector_load_idx %gather3A_289[%iota3A, %broadcast_in_dim3A_283] : memref<32x128xf32, #tpu.memory_space<vmem>>[vector<16xi32>, vector<16xi32>], vector<16xf32>,
      %gather3A_291 = arith.constant 2 : i32
      %gather3A_292 = arith.constant 0 : i32
      %gather3A_293 = arith.constant 0 : i32
      %gather3A_294 = tpu.memref_slice %arg7[%gather3A_291, %gather3A_292, %gather3A_293] : memref<8x32x128xf32, #tpu.memory_space<vmem>> -> memref<1x32x128xf32, #tpu.memory_space<vmem>>
      %gather3A_295 = tpu.memref_squeeze %gather3A_294 : memref<1x32x128xf32, #tpu.memory_space<vmem>> -> memref<32x128xf32, #tpu.memory_space<vmem>>
      %gather3A_296 = tpu.vector_load_idx %gather3A_295[%add3A_10, %broadcast_in_dim3A_283] : memref<32x128xf32, #tpu.memory_space<vmem>>[vector<16xi32>, vector<16xi32>], vector<16xf32>,
      tpu.vector_store_idx %arg8[%iota3A, %broadcast_in_dim3A_284], %gather3A_290 : memref<32x512xf32, #tpu.memory_space<vmem>>[vector<16xi32>, vector<16xi32>], vector<16xf32>,
      tpu.vector_store_idx %arg8[%add3A_10, %broadcast_in_dim3A_284], %gather3A_296 : memref<32x512xf32, #tpu.memory_space<vmem>>[vector<16xi32>, vector<16xi32>], vector<16xf32>,
      %lt3A_297 = arith.constant 63 : i32
      %lt3A_298 = arith.cmpi slt, %scan3A_182, %lt3A_297 : i32
      %convert_element_type3A_299 = arith.extui %lt3A_298 : i1 to i32
      %cond3A_300 = arith.constant 0 : i32
      %cond3A_301 = arith.cmpi ne, %convert_element_type3A_299, %cond3A_300 : i32
      scf.if %cond3A_301 {
        %add3A_512 = arith.constant 8 : i32
        %add3A_513 = arith.addi %add3A_263, %add3A_512 : i32
        %get3A_514 = arith.index_cast %add3A_513 : i32 to index
        %get3A_515 = memref.load %arg5[%get3A_514] : memref<512xi32, #tpu.memory_space<smem>>
        %shift_right_arithmetic3A_516 = arith.constant 7 : i32
        %shift_right_arithmetic3A_517 = arith.shrsi %get3A_515, %shift_right_arithmetic3A_516 : i32
        %mul3A_518 = arith.constant 128 : i32
        %mul3A_519 = arith.muli %shift_right_arithmetic3A_517, %mul3A_518 : i32
        %multiple_of3A_520 = tpu.assume_multiple %mul3A_519, 128 : i32
        %dma_start3A_521 = arith.constant 2 : i32
        %dma_start3A_522 = arith.constant 0 : i32
        %dma_start3A_523 = arith.constant 0 : i32
        %dma_start3A_524 = tpu.memref_slice %arg7[%dma_start3A_521, %dma_start3A_522, %dma_start3A_523] : memref<8x32x128xf32, #tpu.memory_space<vmem>> -> memref<1x32x128xf32, #tpu.memory_space<vmem>>
        %dma_start3A_525 = tpu.memref_squeeze %dma_start3A_524 : memref<1x32x128xf32, #tpu.memory_space<vmem>> -> memref<32x128xf32, #tpu.memory_space<vmem>>
        %dma_start3A_526 = arith.constant 0 : i32
        %dma_start3A_527 = tpu.memref_slice %arg3[%dma_start3A_526, %multiple_of3A_520] : memref<32x1000000xf32, #tpu.memory_space<hbm>> -> memref<32x128xf32, #tpu.memory_space<hbm>>
        %dma_start3A_528 = arith.constant 0 : i32
        %dma_start3A_529 = arith.constant 0 : i32
        %dma_start3A_530 = tpu.memref_slice %arg7[%dma_start3A_521, %dma_start3A_528, %dma_start3A_529] : memref<8x32x128xf32, #tpu.memory_space<vmem>> -> memref<1x32x128xf32, #tpu.memory_space<vmem>>
        %dma_start3A_531 = tpu.memref_squeeze %dma_start3A_530 : memref<1x32x128xf32, #tpu.memory_space<vmem>> -> memref<32x128xf32, #tpu.memory_space<vmem>>
        %dma_start3A_532 = arith.constant 0 : i32
        %dma_start3A_533 = tpu.memref_slice %arg3[%dma_start3A_532, %multiple_of3A_520] : memref<32x1000000xf32, #tpu.memory_space<hbm>> -> memref<32x128xf32, #tpu.memory_space<hbm>>
        tpu.enqueue_dma source(%dma_start3A_533 : memref<32x128xf32, #tpu.memory_space<hbm>>) target(%dma_start3A_531 : memref<32x128xf32, #tpu.memory_space<vmem>>) target_semaphore(%arg11 : memref<!tpu.dma_semaphore, #tpu.memory_space<semaphore_mem>>)
      } else {
      }
      %mul3A_302 = arith.constant 8 : i32
      %mul3A_303 = arith.muli %scan3A_182, %mul3A_302 : i32
      %add3A_304 = arith.constant 3 : i32
      %add3A_305 = arith.addi %mul3A_303, %add3A_304 : i32
      %dma_wait3A_306 = arith.constant 3 : i32
      %dma_wait3A_307 = arith.constant 0 : i32
      %dma_wait3A_308 = arith.constant 0 : i32
      %dma_wait3A_309 = tpu.memref_slice %arg7[%dma_wait3A_306, %dma_wait3A_307, %dma_wait3A_308] : memref<8x32x128xf32, #tpu.memory_space<vmem>> -> memref<1x32x128xf32, #tpu.memory_space<vmem>>
      %dma_wait3A_310 = tpu.memref_squeeze %dma_wait3A_309 : memref<1x32x128xf32, #tpu.memory_space<vmem>> -> memref<32x128xf32, #tpu.memory_space<vmem>>
      %dma_wait3A_311 = arith.constant 0 : i32
      %dma_wait3A_312 = arith.constant 0 : i32
      %dma_wait3A_313 = tpu.memref_slice %arg3[%dma_wait3A_311, %dma_wait3A_312] : memref<32x1000000xf32, #tpu.memory_space<hbm>> -> memref<32x128xf32, #tpu.memory_space<hbm>>
      %dma_wait3A_314 = arith.constant 0 : i32
      %dma_wait3A_315 = arith.constant 0 : i32
      %dma_wait3A_316 = tpu.memref_slice %arg7[%dma_wait3A_306, %dma_wait3A_314, %dma_wait3A_315] : memref<8x32x128xf32, #tpu.memory_space<vmem>> -> memref<1x32x128xf32, #tpu.memory_space<vmem>>
      %dma_wait3A_317 = tpu.memref_squeeze %dma_wait3A_316 : memref<1x32x128xf32, #tpu.memory_space<vmem>> -> memref<32x128xf32, #tpu.memory_space<vmem>>
      %dma_wait3A_318 = arith.constant 0 : i32
      %dma_wait3A_319 = arith.constant 0 : i32
      %dma_wait3A_320 = tpu.memref_slice %arg3[%dma_wait3A_318, %dma_wait3A_319] : memref<32x1000000xf32, #tpu.memory_space<hbm>> -> memref<32x128xf32, #tpu.memory_space<hbm>>
      tpu.wait_dma2 semaphore(%arg12 : memref<!tpu.dma_semaphore, #tpu.memory_space<semaphore_mem>>) src(%dma_wait3A_320 : memref<32x128xf32, #tpu.memory_space<hbm>>) dst(%dma_wait3A_317 : memref<32x128xf32, #tpu.memory_space<vmem>>)
      %get3A_321 = arith.index_cast %add3A_305 : i32 to index
      %get3A_322 = memref.load %arg5[%get3A_321] : memref<512xi32, #tpu.memory_space<smem>>
      %and3A_323 = arith.constant 127 : i32
      %and3A_324 = arith.andi %get3A_322, %and3A_323 : i32
      %broadcast_in_dim3A_325 = vector.broadcast %and3A_324 : i32 to vector<16xi32>
      %broadcast_in_dim3A_326 = vector.broadcast %add3A_305 : i32 to vector<16xi32>
      %gather3A_327 = arith.constant 3 : i32
      %gather3A_328 = arith.constant 0 : i32
      %gather3A_329 = arith.constant 0 : i32
      %gather3A_330 = tpu.memref_slice %arg7[%gather3A_327, %gather3A_328, %gather3A_329] : memref<8x32x128xf32, #tpu.memory_space<vmem>> -> memref<1x32x128xf32, #tpu.memory_space<vmem>>
      %gather3A_331 = tpu.memref_squeeze %gather3A_330 : memref<1x32x128xf32, #tpu.memory_space<vmem>> -> memref<32x128xf32, #tpu.memory_space<vmem>>
      %gather3A_332 = tpu.vector_load_idx %gather3A_331[%iota3A, %broadcast_in_dim3A_325] : memref<32x128xf32, #tpu.memory_space<vmem>>[vector<16xi32>, vector<16xi32>], vector<16xf32>,
      %gather3A_333 = arith.constant 3 : i32
      %gather3A_334 = arith.constant 0 : i32
      %gather3A_335 = arith.constant 0 : i32
      %gather3A_336 = tpu.memref_slice %arg7[%gather3A_333, %gather3A_334, %gather3A_335] : memref<8x32x128xf32, #tpu.memory_space<vmem>> -> memref<1x32x128xf32, #tpu.memory_space<vmem>>
      %gather3A_337 = tpu.memref_squeeze %gather3A_336 : memref<1x32x128xf32, #tpu.memory_space<vmem>> -> memref<32x128xf32, #tpu.memory_space<vmem>>
      %gather3A_338 = tpu.vector_load_idx %gather3A_337[%add3A_10, %broadcast_in_dim3A_325] : memref<32x128xf32, #tpu.memory_space<vmem>>[vector<16xi32>, vector<16xi32>], vector<16xf32>,
      tpu.vector_store_idx %arg8[%iota3A, %broadcast_in_dim3A_326], %gather3A_332 : memref<32x512xf32, #tpu.memory_space<vmem>>[vector<16xi32>, vector<16xi32>], vector<16xf32>,
      tpu.vector_store_idx %arg8[%add3A_10, %broadcast_in_dim3A_326], %gather3A_338 : memref<32x512xf32, #tpu.memory_space<vmem>>[vector<16xi32>, vector<16xi32>], vector<16xf32>,
      %lt3A_339 = arith.constant 63 : i32
      %lt3A_340 = arith.cmpi slt, %scan3A_182, %lt3A_339 : i32
      %convert_element_type3A_341 = arith.extui %lt3A_340 : i1 to i32
      %cond3A_342 = arith.constant 0 : i32
      %cond3A_343 = arith.cmpi ne, %convert_element_type3A_341, %cond3A_342 : i32
      scf.if %cond3A_343 {
        %add3A_512 = arith.constant 8 : i32
        %add3A_513 = arith.addi %add3A_305, %add3A_512 : i32
        %get3A_514 = arith.index_cast %add3A_513 : i32 to index
        %get3A_515 = memref.load %arg5[%get3A_514] : memref<512xi32, #tpu.memory_space<smem>>
        %shift_right_arithmetic3A_516 = arith.constant 7 : i32
        %shift_right_arithmetic3A_517 = arith.shrsi %get3A_515, %shift_right_arithmetic3A_516 : i32
        %mul3A_518 = arith.constant 128 : i32
        %mul3A_519 = arith.muli %shift_right_arithmetic3A_517, %mul3A_518 : i32
        %multiple_of3A_520 = tpu.assume_multiple %mul3A_519, 128 : i32
        %dma_start3A_521 = arith.constant 3 : i32
        %dma_start3A_522 = arith.constant 0 : i32
        %dma_start3A_523 = arith.constant 0 : i32
        %dma_start3A_524 = tpu.memref_slice %arg7[%dma_start3A_521, %dma_start3A_522, %dma_start3A_523] : memref<8x32x128xf32, #tpu.memory_space<vmem>> -> memref<1x32x128xf32, #tpu.memory_space<vmem>>
        %dma_start3A_525 = tpu.memref_squeeze %dma_start3A_524 : memref<1x32x128xf32, #tpu.memory_space<vmem>> -> memref<32x128xf32, #tpu.memory_space<vmem>>
        %dma_start3A_526 = arith.constant 0 : i32
        %dma_start3A_527 = tpu.memref_slice %arg3[%dma_start3A_526, %multiple_of3A_520] : memref<32x1000000xf32, #tpu.memory_space<hbm>> -> memref<32x128xf32, #tpu.memory_space<hbm>>
        %dma_start3A_528 = arith.constant 0 : i32
        %dma_start3A_529 = arith.constant 0 : i32
        %dma_start3A_530 = tpu.memref_slice %arg7[%dma_start3A_521, %dma_start3A_528, %dma_start3A_529] : memref<8x32x128xf32, #tpu.memory_space<vmem>> -> memref<1x32x128xf32, #tpu.memory_space<vmem>>
        %dma_start3A_531 = tpu.memref_squeeze %dma_start3A_530 : memref<1x32x128xf32, #tpu.memory_space<vmem>> -> memref<32x128xf32, #tpu.memory_space<vmem>>
        %dma_start3A_532 = arith.constant 0 : i32
        %dma_start3A_533 = tpu.memref_slice %arg3[%dma_start3A_532, %multiple_of3A_520] : memref<32x1000000xf32, #tpu.memory_space<hbm>> -> memref<32x128xf32, #tpu.memory_space<hbm>>
        tpu.enqueue_dma source(%dma_start3A_533 : memref<32x128xf32, #tpu.memory_space<hbm>>) target(%dma_start3A_531 : memref<32x128xf32, #tpu.memory_space<vmem>>) target_semaphore(%arg12 : memref<!tpu.dma_semaphore, #tpu.memory_space<semaphore_mem>>)
      } else {
      }
      %mul3A_344 = arith.constant 8 : i32
      %mul3A_345 = arith.muli %scan3A_182, %mul3A_344 : i32
      %add3A_346 = arith.constant 4 : i32
      %add3A_347 = arith.addi %mul3A_345, %add3A_346 : i32
      %dma_wait3A_348 = arith.constant 4 : i32
      %dma_wait3A_349 = arith.constant 0 : i32
      %dma_wait3A_350 = arith.constant 0 : i32
      %dma_wait3A_351 = tpu.memref_slice %arg7[%dma_wait3A_348, %dma_wait3A_349, %dma_wait3A_350] : memref<8x32x128xf32, #tpu.memory_space<vmem>> -> memref<1x32x128xf32, #tpu.memory_space<vmem>>
      %dma_wait3A_352 = tpu.memref_squeeze %dma_wait3A_351 : memref<1x32x128xf32, #tpu.memory_space<vmem>> -> memref<32x128xf32, #tpu.memory_space<vmem>>
      %dma_wait3A_353 = arith.constant 0 : i32
      %dma_wait3A_354 = arith.constant 0 : i32
      %dma_wait3A_355 = tpu.memref_slice %arg3[%dma_wait3A_353, %dma_wait3A_354] : memref<32x1000000xf32, #tpu.memory_space<hbm>> -> memref<32x128xf32, #tpu.memory_space<hbm>>
      %dma_wait3A_356 = arith.constant 0 : i32
      %dma_wait3A_357 = arith.constant 0 : i32
      %dma_wait3A_358 = tpu.memref_slice %arg7[%dma_wait3A_348, %dma_wait3A_356, %dma_wait3A_357] : memref<8x32x128xf32, #tpu.memory_space<vmem>> -> memref<1x32x128xf32, #tpu.memory_space<vmem>>
      %dma_wait3A_359 = tpu.memref_squeeze %dma_wait3A_358 : memref<1x32x128xf32, #tpu.memory_space<vmem>> -> memref<32x128xf32, #tpu.memory_space<vmem>>
      %dma_wait3A_360 = arith.constant 0 : i32
      %dma_wait3A_361 = arith.constant 0 : i32
      %dma_wait3A_362 = tpu.memref_slice %arg3[%dma_wait3A_360, %dma_wait3A_361] : memref<32x1000000xf32, #tpu.memory_space<hbm>> -> memref<32x128xf32, #tpu.memory_space<hbm>>
      tpu.wait_dma2 semaphore(%arg13 : memref<!tpu.dma_semaphore, #tpu.memory_space<semaphore_mem>>) src(%dma_wait3A_362 : memref<32x128xf32, #tpu.memory_space<hbm>>) dst(%dma_wait3A_359 : memref<32x128xf32, #tpu.memory_space<vmem>>)
      %get3A_363 = arith.index_cast %add3A_347 : i32 to index
      %get3A_364 = memref.load %arg5[%get3A_363] : memref<512xi32, #tpu.memory_space<smem>>
      %and3A_365 = arith.constant 127 : i32
      %and3A_366 = arith.andi %get3A_364, %and3A_365 : i32
      %broadcast_in_dim3A_367 = vector.broadcast %and3A_366 : i32 to vector<16xi32>
      %broadcast_in_dim3A_368 = vector.broadcast %add3A_347 : i32 to vector<16xi32>
      %gather3A_369 = arith.constant 4 : i32
      %gather3A_370 = arith.constant 0 : i32
      %gather3A_371 = arith.constant 0 : i32
      %gather3A_372 = tpu.memref_slice %arg7[%gather3A_369, %gather3A_370, %gather3A_371] : memref<8x32x128xf32, #tpu.memory_space<vmem>> -> memref<1x32x128xf32, #tpu.memory_space<vmem>>
      %gather3A_373 = tpu.memref_squeeze %gather3A_372 : memref<1x32x128xf32, #tpu.memory_space<vmem>> -> memref<32x128xf32, #tpu.memory_space<vmem>>
      %gather3A_374 = tpu.vector_load_idx %gather3A_373[%iota3A, %broadcast_in_dim3A_367] : memref<32x128xf32, #tpu.memory_space<vmem>>[vector<16xi32>, vector<16xi32>], vector<16xf32>,
      %gather3A_375 = arith.constant 4 : i32
      %gather3A_376 = arith.constant 0 : i32
      %gather3A_377 = arith.constant 0 : i32
      %gather3A_378 = tpu.memref_slice %arg7[%gather3A_375, %gather3A_376, %gather3A_377] : memref<8x32x128xf32, #tpu.memory_space<vmem>> -> memref<1x32x128xf32, #tpu.memory_space<vmem>>
      %gather3A_379 = tpu.memref_squeeze %gather3A_378 : memref<1x32x128xf32, #tpu.memory_space<vmem>> -> memref<32x128xf32, #tpu.memory_space<vmem>>
      %gather3A_380 = tpu.vector_load_idx %gather3A_379[%add3A_10, %broadcast_in_dim3A_367] : memref<32x128xf32, #tpu.memory_space<vmem>>[vector<16xi32>, vector<16xi32>], vector<16xf32>,
      tpu.vector_store_idx %arg8[%iota3A, %broadcast_in_dim3A_368], %gather3A_374 : memref<32x512xf32, #tpu.memory_space<vmem>>[vector<16xi32>, vector<16xi32>], vector<16xf32>,
      tpu.vector_store_idx %arg8[%add3A_10, %broadcast_in_dim3A_368], %gather3A_380 : memref<32x512xf32, #tpu.memory_space<vmem>>[vector<16xi32>, vector<16xi32>], vector<16xf32>,
      %lt3A_381 = arith.constant 63 : i32
      %lt3A_382 = arith.cmpi slt, %scan3A_182, %lt3A_381 : i32
      %convert_element_type3A_383 = arith.extui %lt3A_382 : i1 to i32
      %cond3A_384 = arith.constant 0 : i32
      %cond3A_385 = arith.cmpi ne, %convert_element_type3A_383, %cond3A_384 : i32
      scf.if %cond3A_385 {
        %add3A_512 = arith.constant 8 : i32
        %add3A_513 = arith.addi %add3A_347, %add3A_512 : i32
        %get3A_514 = arith.index_cast %add3A_513 : i32 to index
        %get3A_515 = memref.load %arg5[%get3A_514] : memref<512xi32, #tpu.memory_space<smem>>
        %shift_right_arithmetic3A_516 = arith.constant 7 : i32
        %shift_right_arithmetic3A_517 = arith.shrsi %get3A_515, %shift_right_arithmetic3A_516 : i32
        %mul3A_518 = arith.constant 128 : i32
        %mul3A_519 = arith.muli %shift_right_arithmetic3A_517, %mul3A_518 : i32
        %multiple_of3A_520 = tpu.assume_multiple %mul3A_519, 128 : i32
        %dma_start3A_521 = arith.constant 4 : i32
        %dma_start3A_522 = arith.constant 0 : i32
        %dma_start3A_523 = arith.constant 0 : i32
        %dma_start3A_524 = tpu.memref_slice %arg7[%dma_start3A_521, %dma_start3A_522, %dma_start3A_523] : memref<8x32x128xf32, #tpu.memory_space<vmem>> -> memref<1x32x128xf32, #tpu.memory_space<vmem>>
        %dma_start3A_525 = tpu.memref_squeeze %dma_start3A_524 : memref<1x32x128xf32, #tpu.memory_space<vmem>> -> memref<32x128xf32, #tpu.memory_space<vmem>>
        %dma_start3A_526 = arith.constant 0 : i32
        %dma_start3A_527 = tpu.memref_slice %arg3[%dma_start3A_526, %multiple_of3A_520] : memref<32x1000000xf32, #tpu.memory_space<hbm>> -> memref<32x128xf32, #tpu.memory_space<hbm>>
        %dma_start3A_528 = arith.constant 0 : i32
        %dma_start3A_529 = arith.constant 0 : i32
        %dma_start3A_530 = tpu.memref_slice %arg7[%dma_start3A_521, %dma_start3A_528, %dma_start3A_529] : memref<8x32x128xf32, #tpu.memory_space<vmem>> -> memref<1x32x128xf32, #tpu.memory_space<vmem>>
        %dma_start3A_531 = tpu.memref_squeeze %dma_start3A_530 : memref<1x32x128xf32, #tpu.memory_space<vmem>> -> memref<32x128xf32, #tpu.memory_space<vmem>>
        %dma_start3A_532 = arith.constant 0 : i32
        %dma_start3A_533 = tpu.memref_slice %arg3[%dma_start3A_532, %multiple_of3A_520] : memref<32x1000000xf32, #tpu.memory_space<hbm>> -> memref<32x128xf32, #tpu.memory_space<hbm>>
        tpu.enqueue_dma source(%dma_start3A_533 : memref<32x128xf32, #tpu.memory_space<hbm>>) target(%dma_start3A_531 : memref<32x128xf32, #tpu.memory_space<vmem>>) target_semaphore(%arg13 : memref<!tpu.dma_semaphore, #tpu.memory_space<semaphore_mem>>)
      } else {
      }
      %mul3A_386 = arith.constant 8 : i32
      %mul3A_387 = arith.muli %scan3A_182, %mul3A_386 : i32
      %add3A_388 = arith.constant 5 : i32
      %add3A_389 = arith.addi %mul3A_387, %add3A_388 : i32
      %dma_wait3A_390 = arith.constant 5 : i32
      %dma_wait3A_391 = arith.constant 0 : i32
      %dma_wait3A_392 = arith.constant 0 : i32
      %dma_wait3A_393 = tpu.memref_slice %arg7[%dma_wait3A_390, %dma_wait3A_391, %dma_wait3A_392] : memref<8x32x128xf32, #tpu.memory_space<vmem>> -> memref<1x32x128xf32, #tpu.memory_space<vmem>>
      %dma_wait3A_394 = tpu.memref_squeeze %dma_wait3A_393 : memref<1x32x128xf32, #tpu.memory_space<vmem>> -> memref<32x128xf32, #tpu.memory_space<vmem>>
      %dma_wait3A_395 = arith.constant 0 : i32
      %dma_wait3A_396 = arith.constant 0 : i32
      %dma_wait3A_397 = tpu.memref_slice %arg3[%dma_wait3A_395, %dma_wait3A_396] : memref<32x1000000xf32, #tpu.memory_space<hbm>> -> memref<32x128xf32, #tpu.memory_space<hbm>>
      %dma_wait3A_398 = arith.constant 0 : i32
      %dma_wait3A_399 = arith.constant 0 : i32
      %dma_wait3A_400 = tpu.memref_slice %arg7[%dma_wait3A_390, %dma_wait3A_398, %dma_wait3A_399] : memref<8x32x128xf32, #tpu.memory_space<vmem>> -> memref<1x32x128xf32, #tpu.memory_space<vmem>>
      %dma_wait3A_401 = tpu.memref_squeeze %dma_wait3A_400 : memref<1x32x128xf32, #tpu.memory_space<vmem>> -> memref<32x128xf32, #tpu.memory_space<vmem>>
      %dma_wait3A_402 = arith.constant 0 : i32
      %dma_wait3A_403 = arith.constant 0 : i32
      %dma_wait3A_404 = tpu.memref_slice %arg3[%dma_wait3A_402, %dma_wait3A_403] : memref<32x1000000xf32, #tpu.memory_space<hbm>> -> memref<32x128xf32, #tpu.memory_space<hbm>>
      tpu.wait_dma2 semaphore(%arg14 : memref<!tpu.dma_semaphore, #tpu.memory_space<semaphore_mem>>) src(%dma_wait3A_404 : memref<32x128xf32, #tpu.memory_space<hbm>>) dst(%dma_wait3A_401 : memref<32x128xf32, #tpu.memory_space<vmem>>)
      %get3A_405 = arith.index_cast %add3A_389 : i32 to index
      %get3A_406 = memref.load %arg5[%get3A_405] : memref<512xi32, #tpu.memory_space<smem>>
      %and3A_407 = arith.constant 127 : i32
      %and3A_408 = arith.andi %get3A_406, %and3A_407 : i32
      %broadcast_in_dim3A_409 = vector.broadcast %and3A_408 : i32 to vector<16xi32>
      %broadcast_in_dim3A_410 = vector.broadcast %add3A_389 : i32 to vector<16xi32>
      %gather3A_411 = arith.constant 5 : i32
      %gather3A_412 = arith.constant 0 : i32
      %gather3A_413 = arith.constant 0 : i32
      %gather3A_414 = tpu.memref_slice %arg7[%gather3A_411, %gather3A_412, %gather3A_413] : memref<8x32x128xf32, #tpu.memory_space<vmem>> -> memref<1x32x128xf32, #tpu.memory_space<vmem>>
      %gather3A_415 = tpu.memref_squeeze %gather3A_414 : memref<1x32x128xf32, #tpu.memory_space<vmem>> -> memref<32x128xf32, #tpu.memory_space<vmem>>
      %gather3A_416 = tpu.vector_load_idx %gather3A_415[%iota3A, %broadcast_in_dim3A_409] : memref<32x128xf32, #tpu.memory_space<vmem>>[vector<16xi32>, vector<16xi32>], vector<16xf32>,
      %gather3A_417 = arith.constant 5 : i32
      %gather3A_418 = arith.constant 0 : i32
      %gather3A_419 = arith.constant 0 : i32
      %gather3A_420 = tpu.memref_slice %arg7[%gather3A_417, %gather3A_418, %gather3A_419] : memref<8x32x128xf32, #tpu.memory_space<vmem>> -> memref<1x32x128xf32, #tpu.memory_space<vmem>>
      %gather3A_421 = tpu.memref_squeeze %gather3A_420 : memref<1x32x128xf32, #tpu.memory_space<vmem>> -> memref<32x128xf32, #tpu.memory_space<vmem>>
      %gather3A_422 = tpu.vector_load_idx %gather3A_421[%add3A_10, %broadcast_in_dim3A_409] : memref<32x128xf32, #tpu.memory_space<vmem>>[vector<16xi32>, vector<16xi32>], vector<16xf32>,
      tpu.vector_store_idx %arg8[%iota3A, %broadcast_in_dim3A_410], %gather3A_416 : memref<32x512xf32, #tpu.memory_space<vmem>>[vector<16xi32>, vector<16xi32>], vector<16xf32>,
      tpu.vector_store_idx %arg8[%add3A_10, %broadcast_in_dim3A_410], %gather3A_422 : memref<32x512xf32, #tpu.memory_space<vmem>>[vector<16xi32>, vector<16xi32>], vector<16xf32>,
      %lt3A_423 = arith.constant 63 : i32
      %lt3A_424 = arith.cmpi slt, %scan3A_182, %lt3A_423 : i32
      %convert_element_type3A_425 = arith.extui %lt3A_424 : i1 to i32
      %cond3A_426 = arith.constant 0 : i32
      %cond3A_427 = arith.cmpi ne, %convert_element_type3A_425, %cond3A_426 : i32
      scf.if %cond3A_427 {
        %add3A_512 = arith.constant 8 : i32
        %add3A_513 = arith.addi %add3A_389, %add3A_512 : i32
        %get3A_514 = arith.index_cast %add3A_513 : i32 to index
        %get3A_515 = memref.load %arg5[%get3A_514] : memref<512xi32, #tpu.memory_space<smem>>
        %shift_right_arithmetic3A_516 = arith.constant 7 : i32
        %shift_right_arithmetic3A_517 = arith.shrsi %get3A_515, %shift_right_arithmetic3A_516 : i32
        %mul3A_518 = arith.constant 128 : i32
        %mul3A_519 = arith.muli %shift_right_arithmetic3A_517, %mul3A_518 : i32
        %multiple_of3A_520 = tpu.assume_multiple %mul3A_519, 128 : i32
        %dma_start3A_521 = arith.constant 5 : i32
        %dma_start3A_522 = arith.constant 0 : i32
        %dma_start3A_523 = arith.constant 0 : i32
        %dma_start3A_524 = tpu.memref_slice %arg7[%dma_start3A_521, %dma_start3A_522, %dma_start3A_523] : memref<8x32x128xf32, #tpu.memory_space<vmem>> -> memref<1x32x128xf32, #tpu.memory_space<vmem>>
        %dma_start3A_525 = tpu.memref_squeeze %dma_start3A_524 : memref<1x32x128xf32, #tpu.memory_space<vmem>> -> memref<32x128xf32, #tpu.memory_space<vmem>>
        %dma_start3A_526 = arith.constant 0 : i32
        %dma_start3A_527 = tpu.memref_slice %arg3[%dma_start3A_526, %multiple_of3A_520] : memref<32x1000000xf32, #tpu.memory_space<hbm>> -> memref<32x128xf32, #tpu.memory_space<hbm>>
        %dma_start3A_528 = arith.constant 0 : i32
        %dma_start3A_529 = arith.constant 0 : i32
        %dma_start3A_530 = tpu.memref_slice %arg7[%dma_start3A_521, %dma_start3A_528, %dma_start3A_529] : memref<8x32x128xf32, #tpu.memory_space<vmem>> -> memref<1x32x128xf32, #tpu.memory_space<vmem>>
        %dma_start3A_531 = tpu.memref_squeeze %dma_start3A_530 : memref<1x32x128xf32, #tpu.memory_space<vmem>> -> memref<32x128xf32, #tpu.memory_space<vmem>>
        %dma_start3A_532 = arith.constant 0 : i32
        %dma_start3A_533 = tpu.memref_slice %arg3[%dma_start3A_532, %multiple_of3A_520] : memref<32x1000000xf32, #tpu.memory_space<hbm>> -> memref<32x128xf32, #tpu.memory_space<hbm>>
        tpu.enqueue_dma source(%dma_start3A_533 : memref<32x128xf32, #tpu.memory_space<hbm>>) target(%dma_start3A_531 : memref<32x128xf32, #tpu.memory_space<vmem>>) target_semaphore(%arg14 : memref<!tpu.dma_semaphore, #tpu.memory_space<semaphore_mem>>)
      } else {
      }
      %mul3A_428 = arith.constant 8 : i32
      %mul3A_429 = arith.muli %scan3A_182, %mul3A_428 : i32
      %add3A_430 = arith.constant 6 : i32
      %add3A_431 = arith.addi %mul3A_429, %add3A_430 : i32
      %dma_wait3A_432 = arith.constant 6 : i32
      %dma_wait3A_433 = arith.constant 0 : i32
      %dma_wait3A_434 = arith.constant 0 : i32
      %dma_wait3A_435 = tpu.memref_slice %arg7[%dma_wait3A_432, %dma_wait3A_433, %dma_wait3A_434] : memref<8x32x128xf32, #tpu.memory_space<vmem>> -> memref<1x32x128xf32, #tpu.memory_space<vmem>>
      %dma_wait3A_436 = tpu.memref_squeeze %dma_wait3A_435 : memref<1x32x128xf32, #tpu.memory_space<vmem>> -> memref<32x128xf32, #tpu.memory_space<vmem>>
      %dma_wait3A_437 = arith.constant 0 : i32
      %dma_wait3A_438 = arith.constant 0 : i32
      %dma_wait3A_439 = tpu.memref_slice %arg3[%dma_wait3A_437, %dma_wait3A_438] : memref<32x1000000xf32, #tpu.memory_space<hbm>> -> memref<32x128xf32, #tpu.memory_space<hbm>>
      %dma_wait3A_440 = arith.constant 0 : i32
      %dma_wait3A_441 = arith.constant 0 : i32
      %dma_wait3A_442 = tpu.memref_slice %arg7[%dma_wait3A_432, %dma_wait3A_440, %dma_wait3A_441] : memref<8x32x128xf32, #tpu.memory_space<vmem>> -> memref<1x32x128xf32, #tpu.memory_space<vmem>>
      %dma_wait3A_443 = tpu.memref_squeeze %dma_wait3A_442 : memref<1x32x128xf32, #tpu.memory_space<vmem>> -> memref<32x128xf32, #tpu.memory_space<vmem>>
      %dma_wait3A_444 = arith.constant 0 : i32
      %dma_wait3A_445 = arith.constant 0 : i32
      %dma_wait3A_446 = tpu.memref_slice %arg3[%dma_wait3A_444, %dma_wait3A_445] : memref<32x1000000xf32, #tpu.memory_space<hbm>> -> memref<32x128xf32, #tpu.memory_space<hbm>>
      tpu.wait_dma2 semaphore(%arg15 : memref<!tpu.dma_semaphore, #tpu.memory_space<semaphore_mem>>) src(%dma_wait3A_446 : memref<32x128xf32, #tpu.memory_space<hbm>>) dst(%dma_wait3A_443 : memref<32x128xf32, #tpu.memory_space<vmem>>)
      %get3A_447 = arith.index_cast %add3A_431 : i32 to index
      %get3A_448 = memref.load %arg5[%get3A_447] : memref<512xi32, #tpu.memory_space<smem>>
      %and3A_449 = arith.constant 127 : i32
      %and3A_450 = arith.andi %get3A_448, %and3A_449 : i32
      %broadcast_in_dim3A_451 = vector.broadcast %and3A_450 : i32 to vector<16xi32>
      %broadcast_in_dim3A_452 = vector.broadcast %add3A_431 : i32 to vector<16xi32>
      %gather3A_453 = arith.constant 6 : i32
      %gather3A_454 = arith.constant 0 : i32
      %gather3A_455 = arith.constant 0 : i32
      %gather3A_456 = tpu.memref_slice %arg7[%gather3A_453, %gather3A_454, %gather3A_455] : memref<8x32x128xf32, #tpu.memory_space<vmem>> -> memref<1x32x128xf32, #tpu.memory_space<vmem>>
      %gather3A_457 = tpu.memref_squeeze %gather3A_456 : memref<1x32x128xf32, #tpu.memory_space<vmem>> -> memref<32x128xf32, #tpu.memory_space<vmem>>
      %gather3A_458 = tpu.vector_load_idx %gather3A_457[%iota3A, %broadcast_in_dim3A_451] : memref<32x128xf32, #tpu.memory_space<vmem>>[vector<16xi32>, vector<16xi32>], vector<16xf32>,
      %gather3A_459 = arith.constant 6 : i32
      %gather3A_460 = arith.constant 0 : i32
      %gather3A_461 = arith.constant 0 : i32
      %gather3A_462 = tpu.memref_slice %arg7[%gather3A_459, %gather3A_460, %gather3A_461] : memref<8x32x128xf32, #tpu.memory_space<vmem>> -> memref<1x32x128xf32, #tpu.memory_space<vmem>>
      %gather3A_463 = tpu.memref_squeeze %gather3A_462 : memref<1x32x128xf32, #tpu.memory_space<vmem>> -> memref<32x128xf32, #tpu.memory_space<vmem>>
      %gather3A_464 = tpu.vector_load_idx %gather3A_463[%add3A_10, %broadcast_in_dim3A_451] : memref<32x128xf32, #tpu.memory_space<vmem>>[vector<16xi32>, vector<16xi32>], vector<16xf32>,
      tpu.vector_store_idx %arg8[%iota3A, %broadcast_in_dim3A_452], %gather3A_458 : memref<32x512xf32, #tpu.memory_space<vmem>>[vector<16xi32>, vector<16xi32>], vector<16xf32>,
      tpu.vector_store_idx %arg8[%add3A_10, %broadcast_in_dim3A_452], %gather3A_464 : memref<32x512xf32, #tpu.memory_space<vmem>>[vector<16xi32>, vector<16xi32>], vector<16xf32>,
      %lt3A_465 = arith.constant 63 : i32
      %lt3A_466 = arith.cmpi slt, %scan3A_182, %lt3A_465 : i32
      %convert_element_type3A_467 = arith.extui %lt3A_466 : i1 to i32
      %cond3A_468 = arith.constant 0 : i32
      %cond3A_469 = arith.cmpi ne, %convert_element_type3A_467, %cond3A_468 : i32
      scf.if %cond3A_469 {
        %add3A_512 = arith.constant 8 : i32
        %add3A_513 = arith.addi %add3A_431, %add3A_512 : i32
        %get3A_514 = arith.index_cast %add3A_513 : i32 to index
        %get3A_515 = memref.load %arg5[%get3A_514] : memref<512xi32, #tpu.memory_space<smem>>
        %shift_right_arithmetic3A_516 = arith.constant 7 : i32
        %shift_right_arithmetic3A_517 = arith.shrsi %get3A_515, %shift_right_arithmetic3A_516 : i32
        %mul3A_518 = arith.constant 128 : i32
        %mul3A_519 = arith.muli %shift_right_arithmetic3A_517, %mul3A_518 : i32
        %multiple_of3A_520 = tpu.assume_multiple %mul3A_519, 128 : i32
        %dma_start3A_521 = arith.constant 6 : i32
        %dma_start3A_522 = arith.constant 0 : i32
        %dma_start3A_523 = arith.constant 0 : i32
        %dma_start3A_524 = tpu.memref_slice %arg7[%dma_start3A_521, %dma_start3A_522, %dma_start3A_523] : memref<8x32x128xf32, #tpu.memory_space<vmem>> -> memref<1x32x128xf32, #tpu.memory_space<vmem>>
        %dma_start3A_525 = tpu.memref_squeeze %dma_start3A_524 : memref<1x32x128xf32, #tpu.memory_space<vmem>> -> memref<32x128xf32, #tpu.memory_space<vmem>>
        %dma_start3A_526 = arith.constant 0 : i32
        %dma_start3A_527 = tpu.memref_slice %arg3[%dma_start3A_526, %multiple_of3A_520] : memref<32x1000000xf32, #tpu.memory_space<hbm>> -> memref<32x128xf32, #tpu.memory_space<hbm>>
        %dma_start3A_528 = arith.constant 0 : i32
        %dma_start3A_529 = arith.constant 0 : i32
        %dma_start3A_530 = tpu.memref_slice %arg7[%dma_start3A_521, %dma_start3A_528, %dma_start3A_529] : memref<8x32x128xf32, #tpu.memory_space<vmem>> -> memref<1x32x128xf32, #tpu.memory_space<vmem>>
        %dma_start3A_531 = tpu.memref_squeeze %dma_start3A_530 : memref<1x32x128xf32, #tpu.memory_space<vmem>> -> memref<32x128xf32, #tpu.memory_space<vmem>>
        %dma_start3A_532 = arith.constant 0 : i32
        %dma_start3A_533 = tpu.memref_slice %arg3[%dma_start3A_532, %multiple_of3A_520] : memref<32x1000000xf32, #tpu.memory_space<hbm>> -> memref<32x128xf32, #tpu.memory_space<hbm>>
        tpu.enqueue_dma source(%dma_start3A_533 : memref<32x128xf32, #tpu.memory_space<hbm>>) target(%dma_start3A_531 : memref<32x128xf32, #tpu.memory_space<vmem>>) target_semaphore(%arg15 : memref<!tpu.dma_semaphore, #tpu.memory_space<semaphore_mem>>)
      } else {
      }
      %mul3A_470 = arith.constant 8 : i32
      %mul3A_471 = arith.muli %scan3A_182, %mul3A_470 : i32
      %add3A_472 = arith.constant 7 : i32
      %add3A_473 = arith.addi %mul3A_471, %add3A_472 : i32
      %dma_wait3A_474 = arith.constant 7 : i32
      %dma_wait3A_475 = arith.constant 0 : i32
      %dma_wait3A_476 = arith.constant 0 : i32
      %dma_wait3A_477 = tpu.memref_slice %arg7[%dma_wait3A_474, %dma_wait3A_475, %dma_wait3A_476] : memref<8x32x128xf32, #tpu.memory_space<vmem>> -> memref<1x32x128xf32, #tpu.memory_space<vmem>>
      %dma_wait3A_478 = tpu.memref_squeeze %dma_wait3A_477 : memref<1x32x128xf32, #tpu.memory_space<vmem>> -> memref<32x128xf32, #tpu.memory_space<vmem>>
      %dma_wait3A_479 = arith.constant 0 : i32
      %dma_wait3A_480 = arith.constant 0 : i32
      %dma_wait3A_481 = tpu.memref_slice %arg3[%dma_wait3A_479, %dma_wait3A_480] : memref<32x1000000xf32, #tpu.memory_space<hbm>> -> memref<32x128xf32, #tpu.memory_space<hbm>>
      %dma_wait3A_482 = arith.constant 0 : i32
      %dma_wait3A_483 = arith.constant 0 : i32
      %dma_wait3A_484 = tpu.memref_slice %arg7[%dma_wait3A_474, %dma_wait3A_482, %dma_wait3A_483] : memref<8x32x128xf32, #tpu.memory_space<vmem>> -> memref<1x32x128xf32, #tpu.memory_space<vmem>>
      %dma_wait3A_485 = tpu.memref_squeeze %dma_wait3A_484 : memref<1x32x128xf32, #tpu.memory_space<vmem>> -> memref<32x128xf32, #tpu.memory_space<vmem>>
      %dma_wait3A_486 = arith.constant 0 : i32
      %dma_wait3A_487 = arith.constant 0 : i32
      %dma_wait3A_488 = tpu.memref_slice %arg3[%dma_wait3A_486, %dma_wait3A_487] : memref<32x1000000xf32, #tpu.memory_space<hbm>> -> memref<32x128xf32, #tpu.memory_space<hbm>>
      tpu.wait_dma2 semaphore(%arg16 : memref<!tpu.dma_semaphore, #tpu.memory_space<semaphore_mem>>) src(%dma_wait3A_488 : memref<32x128xf32, #tpu.memory_space<hbm>>) dst(%dma_wait3A_485 : memref<32x128xf32, #tpu.memory_space<vmem>>)
      %get3A_489 = arith.index_cast %add3A_473 : i32 to index
      %get3A_490 = memref.load %arg5[%get3A_489] : memref<512xi32, #tpu.memory_space<smem>>
      %and3A_491 = arith.constant 127 : i32
      %and3A_492 = arith.andi %get3A_490, %and3A_491 : i32
      %broadcast_in_dim3A_493 = vector.broadcast %and3A_492 : i32 to vector<16xi32>
      %broadcast_in_dim3A_494 = vector.broadcast %add3A_473 : i32 to vector<16xi32>
      %gather3A_495 = arith.constant 7 : i32
      %gather3A_496 = arith.constant 0 : i32
      %gather3A_497 = arith.constant 0 : i32
      %gather3A_498 = tpu.memref_slice %arg7[%gather3A_495, %gather3A_496, %gather3A_497] : memref<8x32x128xf32, #tpu.memory_space<vmem>> -> memref<1x32x128xf32, #tpu.memory_space<vmem>>
      %gather3A_499 = tpu.memref_squeeze %gather3A_498 : memref<1x32x128xf32, #tpu.memory_space<vmem>> -> memref<32x128xf32, #tpu.memory_space<vmem>>
      %gather3A_500 = tpu.vector_load_idx %gather3A_499[%iota3A, %broadcast_in_dim3A_493] : memref<32x128xf32, #tpu.memory_space<vmem>>[vector<16xi32>, vector<16xi32>], vector<16xf32>,
      %gather3A_501 = arith.constant 7 : i32
      %gather3A_502 = arith.constant 0 : i32
      %gather3A_503 = arith.constant 0 : i32
      %gather3A_504 = tpu.memref_slice %arg7[%gather3A_501, %gather3A_502, %gather3A_503] : memref<8x32x128xf32, #tpu.memory_space<vmem>> -> memref<1x32x128xf32, #tpu.memory_space<vmem>>
      %gather3A_505 = tpu.memref_squeeze %gather3A_504 : memref<1x32x128xf32, #tpu.memory_space<vmem>> -> memref<32x128xf32, #tpu.memory_space<vmem>>
      %gather3A_506 = tpu.vector_load_idx %gather3A_505[%add3A_10, %broadcast_in_dim3A_493] : memref<32x128xf32, #tpu.memory_space<vmem>>[vector<16xi32>, vector<16xi32>], vector<16xf32>,
      tpu.vector_store_idx %arg8[%iota3A, %broadcast_in_dim3A_494], %gather3A_500 : memref<32x512xf32, #tpu.memory_space<vmem>>[vector<16xi32>, vector<16xi32>], vector<16xf32>,
      tpu.vector_store_idx %arg8[%add3A_10, %broadcast_in_dim3A_494], %gather3A_506 : memref<32x512xf32, #tpu.memory_space<vmem>>[vector<16xi32>, vector<16xi32>], vector<16xf32>,
      %lt3A_507 = arith.constant 63 : i32
      %lt3A_508 = arith.cmpi slt, %scan3A_182, %lt3A_507 : i32
      %convert_element_type3A_509 = arith.extui %lt3A_508 : i1 to i32
      %cond3A_510 = arith.constant 0 : i32
      %cond3A_511 = arith.cmpi ne, %convert_element_type3A_509, %cond3A_510 : i32
      scf.if %cond3A_511 {
        %add3A_512 = arith.constant 8 : i32
        %add3A_513 = arith.addi %add3A_473, %add3A_512 : i32
        %get3A_514 = arith.index_cast %add3A_513 : i32 to index
        %get3A_515 = memref.load %arg5[%get3A_514] : memref<512xi32, #tpu.memory_space<smem>>
        %shift_right_arithmetic3A_516 = arith.constant 7 : i32
        %shift_right_arithmetic3A_517 = arith.shrsi %get3A_515, %shift_right_arithmetic3A_516 : i32
        %mul3A_518 = arith.constant 128 : i32
        %mul3A_519 = arith.muli %shift_right_arithmetic3A_517, %mul3A_518 : i32
        %multiple_of3A_520 = tpu.assume_multiple %mul3A_519, 128 : i32
        %dma_start3A_521 = arith.constant 7 : i32
        %dma_start3A_522 = arith.constant 0 : i32
        %dma_start3A_523 = arith.constant 0 : i32
        %dma_start3A_524 = tpu.memref_slice %arg7[%dma_start3A_521, %dma_start3A_522, %dma_start3A_523] : memref<8x32x128xf32, #tpu.memory_space<vmem>> -> memref<1x32x128xf32, #tpu.memory_space<vmem>>
        %dma_start3A_525 = tpu.memref_squeeze %dma_start3A_524 : memref<1x32x128xf32, #tpu.memory_space<vmem>> -> memref<32x128xf32, #tpu.memory_space<vmem>>
        %dma_start3A_526 = arith.constant 0 : i32
        %dma_start3A_527 = tpu.memref_slice %arg3[%dma_start3A_526, %multiple_of3A_520] : memref<32x1000000xf32, #tpu.memory_space<hbm>> -> memref<32x128xf32, #tpu.memory_space<hbm>>
        %dma_start3A_528 = arith.constant 0 : i32
        %dma_start3A_529 = arith.constant 0 : i32
        %dma_start3A_530 = tpu.memref_slice %arg7[%dma_start3A_521, %dma_start3A_528, %dma_start3A_529] : memref<8x32x128xf32, #tpu.memory_space<vmem>> -> memref<1x32x128xf32, #tpu.memory_space<vmem>>
        %dma_start3A_531 = tpu.memref_squeeze %dma_start3A_530 : memref<1x32x128xf32, #tpu.memory_space<vmem>> -> memref<32x128xf32, #tpu.memory_space<vmem>>
        %dma_start3A_532 = arith.constant 0 : i32
        %dma_start3A_533 = tpu.memref_slice %arg3[%dma_start3A_532, %multiple_of3A_520] : memref<32x1000000xf32, #tpu.memory_space<hbm>> -> memref<32x128xf32, #tpu.memory_space<hbm>>
        tpu.enqueue_dma source(%dma_start3A_533 : memref<32x128xf32, #tpu.memory_space<hbm>>) target(%dma_start3A_531 : memref<32x128xf32, #tpu.memory_space<vmem>>) target_semaphore(%arg16 : memref<!tpu.dma_semaphore, #tpu.memory_space<semaphore_mem>>)
      } else {
      }
    }
    %scan3A_181 = arith.constant 64 : i32
    "tpu.region"() ({
      %run_scoped3A = tpu.sem_alloc : memref<!tpu.dma_semaphore, #tpu.memory_space<semaphore_mem>>
      %dma_start3A_182 = arith.constant 0 : i32
      %dma_start3A_183 = tpu.memref_slice %arg4[%dma_start3A_182, %multiple_of3A] : memref<32x16384xf32, #tpu.memory_space<hbm>> -> memref<32x512xf32, #tpu.memory_space<hbm>>
      %dma_start3A_184 = arith.constant 0 : i32
      %dma_start3A_185 = tpu.memref_slice %arg4[%dma_start3A_184, %multiple_of3A] : memref<32x16384xf32, #tpu.memory_space<hbm>> -> memref<32x512xf32, #tpu.memory_space<hbm>>
      tpu.enqueue_dma source(%arg8 : memref<32x512xf32, #tpu.memory_space<vmem>>) target(%dma_start3A_185 : memref<32x512xf32, #tpu.memory_space<hbm>>) target_semaphore(%run_scoped3A : memref<!tpu.dma_semaphore, #tpu.memory_space<semaphore_mem>>)
      %dma_wait3A = arith.constant 0 : i32
      %dma_wait3A_186 = tpu.memref_slice %arg4[%dma_wait3A, %multiple_of3A] : memref<32x16384xf32, #tpu.memory_space<hbm>> -> memref<32x512xf32, #tpu.memory_space<hbm>>
      %dma_wait3A_187 = arith.constant 0 : i32
      %dma_wait3A_188 = tpu.memref_slice %arg4[%dma_wait3A_187, %multiple_of3A] : memref<32x16384xf32, #tpu.memory_space<hbm>> -> memref<32x512xf32, #tpu.memory_space<hbm>>
      tpu.wait_dma2 semaphore(%run_scoped3A : memref<!tpu.dma_semaphore, #tpu.memory_space<semaphore_mem>>) src(%arg8 : memref<32x512xf32, #tpu.memory_space<vmem>>) dst(%dma_wait3A_188 : memref<32x512xf32, #tpu.memory_space<hbm>>)
      tpu.yield
    }) : () -> ()
    return
  }
}

</mosaic_0001>

<sc_bundles>
// kernel: kernel.3.cloned.1.call-start
scs
__scs_entry_jumppad:
0x0: {  	(pc) =	sbr.rel $0x88, $3  }
0x1: {  	(tag) =	ssettag $0x0;
	lr =	simm.s32 $0x1  }
0x2: {  	[smem:$0x3F9F] =	sst lr;
	_ =	strace $0xD0000000  }
0x3: {  	_ = 	snop  }
0x4: {  	_ = 	snop  }
0x5: {  	_ = 	snop  }
0x6: {  	_ = 	snop  }
0x7: {  	_ = 	snop  }
__scs_overlays_trampoline_lowered:
0x8: {  	[smem:$0x3FAE] =	sst s0  }
0x9: {  	[smem:$0x3FAF] =	sst s1  }
0xa: {  	[smem:$0x3FB0] =	sst s2  }
0xb: {  	[smem:$0x3FB1] =	sst s3  }
0xc: {  	[smem:$0x3FB2] =	sst s4  }
0xd: {  	[smem:$0x3FB3] =	sst s5  }
0xe: {  	[smem:$0x3FB4] =	sst s6  }
0xf: {  	[smem:$0x3FB5] =	sst s7  }
0x10: {  	[smem:$0x3FB6] =	sst s8  }
0x11: {  	[smem:$0x3FB7] =	sst s9;
	s0 =	simm.s32 @!p0 $0x0  }
0x12: {  	s1 =	sld [smem:$0x3F9D];
	s0 =	simm.s32 @p0 $0x1  }
0x13: {  	[smem:$0x3FB8] =	sst s0;
	s0 =	simm.s32 @!p1 $0x0  }
0x14: {  	s2 =	sld [smem:$0x3F9C];
	s0 =	simm.s32 @p1 $0x1  }
0x15: {  	[smem:$0x3FB9] =	sst s0;
	s0 =	simm.s32 @!p2 $0x0  }
0x16: {  	s3 =	sld [smem:$0x3FDB];
	s0 =	simm.s32 @p2 $0x1  }
0x17: {  	s4 =	simm.s32 $0x1BF5;
	[smem:$0x3FBB] =	sst s0  }
0x18: {  	s0 =	sld [smem:$0x3F9E];
	_ =	swait.ge [sflag:s4], $0x0  }
0x19: {  	s7 =	sld [smem:$0x3F9F]  }
0x1a: {  	s8 =	sadd.s32 $0xFFFFE003, lr  }
0x1b: {  	s9 =	sadd.s32 $0xFFFFFEF7, lr;
	s5 =	simm.s32 $0xFFFFFFFF;
	p2 =	slt.u32 s8, $0xFFFFF086  }
0x1c: {  	p1 =	slt.u32 s9, $0xF7A;
	s5 =	simm.s32 @!p2 $0x0  }
0x1d: {  	s5 =	simm.s32 @p1 $0x1;
	p0 =	seq.s32 s7, s2  }
0x1e: {  	s7 =	smul.u32 @!p0 $0xF7A, s2;
	p2 =	seq.s32 @!p0 s5, $0x0  }
0x1f: {  	s9 =	smul.u32 $0xF7A, s1;
	s8 =	simm.s32 @!p0 $0x1BF5;
	p2 =	por !p2, p0  }
0x20: {  	[sflag:s8] =	ssyncset.s32 @!p0 $0xFFFFF086;
	s6 =	sadd.s32 @!p0 s3, s7;
	s7 =	simm.s32 @!p0 $0x108  }
0x21: {  	s3 =	sadd.s32 s3, s9;
	s6 =	sadd.s32 @!p0 $0x88, s6;
	s7 =	simm.s32 @p2 $0x1082  }
0x22: {  	[simem:s7], [sflag:s8] =	dma.local @!p0 [hbm:s6], $0xF7A  }
0x23: {  	s9 =	sor.u32 $0xD0000000, s2;
	s6 =	simm.s32 $0x108;
	_ =	swait.ge @!p0 [sflag:s8], $0x0  }
0x24: {  	s3 =	sadd.s32 $0x88, s3;
	s6 =	simm.s32 @!p1 $0x1082;
	[sflag:s4] =	ssyncset.s32 $0xFFFFF086  }
0x25: {  	[simem:s6], [sflag:s4] =	dma.local [hbm:s3], $0xF7A  }
0x26: {  	[smem:$0x3F9F] =	sst s1;
	(tag) =	ssettag s2;
	_ =	strace s9  }
0x27: {  	s1 =	sld [smem:$0x3FAF]  }
0x28: {  	s2 =	sld [smem:$0x3FB0]  }
0x29: {  	s4 =	sld [smem:$0x3FB2]  }
0x2a: {  	p0 =	seq.s32 s5, $0x0;
	s5 =	sld [smem:$0x3FB3]  }
0x2b: {  	s6 =	sld [smem:$0x3FB4]  }
0x2c: {  	s7 =	sld [smem:$0x3FB5]  }
0x2d: {  	s3 =	simm.s32 $0x108;
	s8 =	sld [smem:$0x3FB6]  }
0x2e: {  	s3 =	simm.s32 @!p0 $0x1082;
	s9 =	sld [smem:$0x3FB7]  }
0x2f: {  	lr =	sadd.s32 s0, s3;
	s0 =	sld [smem:$0x3FAE]  }
0x30: {  	s3 =	sld [smem:$0x3FB1]  }
0x31: {  	[smem:$0x3FBA] =	sst s10  }
0x32: {  	s10 =	sld [smem:$0x3FB8];
	_ =	sdelay $0x3  }
0x33: {  	p0 =	seq.s32 s10, $0x1;
	s10 =	sld [smem:$0x3FBA];
	_ =	sdelay $0x3  }
0x34: {  	[smem:$0x3FBA] =	sst s10  }
0x35: {  	s10 =	sld [smem:$0x3FB9];
	_ =	sdelay $0x3  }
0x36: {  	p1 =	seq.s32 s10, $0x1;
	s10 =	sld [smem:$0x3FBA];
	_ =	sdelay $0x3  }
0x37: {  	[smem:$0x3FBA] =	sst s10  }
0x38: {  	s10 =	sld [smem:$0x3FBB]  }
0x39: {  	_ = 	snop;
	(pc) =	sbr.ind lr, $3  }
0x3a: {  	_ = 	snop  }
0x3b: {  	_ = 	snop  }
0x3c: {  	p2 =	seq.s32 s10, $0x1;
	s10 =	sld [smem:$0x3FBA]  }
0x3d: {  	_ =	shalt  }
0x3e: {  	_ =	shalt  }
0x3f: {  	_ =	shalt  }
0x40: {  	_ =	shalt  }
0x41: {  	_ =	shalt  }
0x42: {  	_ =	shalt  }
0x43: {  	_ =	shalt  }
0x44: {  	_ =	shalt  }
0x45: {  	_ =	shalt  }
0x46: {  	_ =	shalt  }
0x47: {  	_ =	shalt  }
0x48: {  	_ =	shalt  }
0x49: {  	_ =	shalt  }
0x4a: {  	_ =	shalt  }
0x4b: {  	_ =	shalt  }
0x4c: {  	_ =	shalt  }
0x4d: {  	_ =	shalt  }
0x4e: {  	_ =	shalt  }
0x4f: {  	_ =	shalt  }
0x50: {  	_ =	shalt  }
0x51: {  	_ =	shalt  }
0x52: {  	_ =	shalt  }
0x53: {  	_ =	shalt  }
0x54: {  	_ =	shalt  }
0x55: {  	_ =	shalt  }
0x56: {  	_ =	shalt  }
0x57: {  	_ =	shalt  }
0x58: {  	_ =	shalt  }
0x59: {  	_ =	shalt  }
0x5a: {  	_ =	shalt  }
0x5b: {  	_ =	shalt  }
0x5c: {  	_ =	shalt  }
0x5d: {  	_ =	shalt  }
0x5e: {  	_ =	shalt  }
0x5f: {  	_ =	shalt  }
0x60: {  	_ =	shalt  }
0x61: {  	_ =	shalt  }
0x62: {  	_ =	shalt  }
0x63: {  	_ =	shalt  }
0x64: {  	_ =	shalt  }
0x65: {  	_ =	shalt  }
0x66: {  	_ =	shalt  }
0x67: {  	_ =	shalt  }
0x68: {  	_ =	shalt  }
0x69: {  	_ =	shalt  }
0x6a: {  	_ =	shalt  }
0x6b: {  	_ =	shalt  }
0x6c: {  	_ =	shalt  }
0x6d: {  	_ =	shalt  }
0x6e: {  	_ =	shalt  }
0x6f: {  	_ =	shalt  }
0x70: {  	_ =	shalt  }
0x71: {  	_ =	shalt  }
0x72: {  	_ =	shalt  }
0x73: {  	_ =	shalt  }
0x74: {  	_ =	shalt  }
0x75: {  	_ =	shalt  }
0x76: {  	_ =	shalt  }
0x77: {  	_ =	shalt  }
0x78: {  	_ =	shalt  }
0x79: {  	_ =	shalt  }
0x7a: {  	_ =	shalt  }
0x7b: {  	_ =	shalt  }
0x7c: {  	_ =	shalt  }
0x7d: {  	_ =	shalt  }
0x7e: {  	_ =	shalt  }
0x7f: {  	_ =	shalt  }
0x80: {  	_ =	shalt  }
0x81: {  	_ =	shalt  }
0x82: {  	_ =	shalt  }
0x83: {  	_ =	shalt  }
0x84: {  	_ =	shalt  }
0x85: {  	_ =	shalt  }
0x86: {  	_ =	shalt  }
0x87: {  	_ =	shalt  }
.Lfunc_end0:
.L_simem_size_0:
called_computation_lowered:
.L_overlay_start_0:
0x88: {  	s2 =	sld [smem:$0x3FD9]  }
0x89: {  	s3 =	sld [smem:$0x3FFE];
	_ =	sdelay $0x1  }
0x8a: {  	s1 =	srdreg.scid  }
0x8b: {  	s0 =	sand.u32 $0x1, s1  }
0x8c: {  	s18 =	sshll.u32 s0, $0xA;
	s2 =	sadd.s32 s3, s2  }
0x8d: {  	s2 =	sadd.s32 s2, s18  }
0x8e: {  	[smem:$0x3FC6] =	sst s2  }
0x8f: {  	_ = 	snop  }
0x90: {  	s2 =	sld [smem:$0x3FC9]  }
0x91: {  	s19 =	sld [smem:$0x3FC8]  }
0x92: {  	s4 =	sld [smem:$0x3FD0];
	(tm) =	ssettm $0x1  }
0x93: {  	s5 =	sld [smem:$0x3FFB];
	_ =	sdelay $0x3  }
0x94: {  	_ =	strace s5  }
0x95: {  	s5 =	sld [smem:$0x3FFC];
	_ =	sdelay $0x3  }
0x96: {  	_ =	strace s5  }
0x97: {  	s5 =	sld [smem:$0x3FFD];
	_ =	sdelay $0x3  }
0x98: {  	_ =	strace s5  }
0x99: {  	_ =	strace $0x8FFFFFFF  }
0x9a: {  	s20 =	sld [smem:$0x3FDB];
	_ =	sdelay $0x1  }
0x9b: {  	s6 =	simm.s32 $_scs_section_size  }
0x9c: {  	s7 =	simm.s32 $_size__tile_overlayer_lowered;
	s8 =	simm.s32 $_tile_overlayer_lowered  }
0x9d: {  	s23 =	simm.s32 $0x1BFF;
	s22 =	sshll.u32 s8, $0x1;
	s5 =	sadd.s32 s6, s20  }
0x9e: {  	s9 =	simm.s32 $0x0;
	s21 =	sshll.u32 s7, $0x1;
	s7 =	sadd.s32 s22, s5  }
0x9f: {  	[timem:s9], [sflag:s23] =	dma.local [hbm:s7], s21  }
0xa0: {  	_ =	swait.ge [sflag:s23], s21  }
0xa1: {  	s6 =	ssub.s32 $0x0, s21;
	[sflag:s23] =	ssyncset.done $0x0  }
0xa2: {  	[sflag:s23] =	ssyncadd.s32 s6;
	_ =	sdelay $0x1  }
0xa3: {  	s24 =	simm.s32 $0x1B8B  }
0xa4: {  	_ =	swait.ge [sflag:s24], $0x1  }
0xa5: {  	[sflag:s24] =	ssyncset.done $0x0  }
0xa6: {  	s25 =	simm.s32 $0x1B8E;
	[sflag:s24] =	ssyncadd.s32 $0xFFFFFFFF  }
0xa7: {  	s26 =	simm.s32 $execute0_lowered;
	[smem:$0x3FD2] =	sst s25  }
0xa8: {  	s6 =	sshll.u32 s26, $0x1;
	_ =	strace $0x80000046;
	[dreg:$0x1] =	wrdreg $0xFFFFFFFF  }
0xa9: {  	s28 =	simm.s32 $_size_execute0_lowered;
	s5 =	sadd.s32 s5, s6;
	[dreg:$0x0] =	wrdreg $0x0  }
0xaa: {  	s6 =	sshll.u32 s28, $0x1;
	[dreg:$0x2] =	wrdreg s5  }
0xab: {  	[dreg:$0x3] =	wrdreg s6  }
0xac: {  	[dreg:$0x4] =	wrdreg $0xC0  }
0xad: {  	_ =	task [dreg:s9], $0x5FFFF  }
0xae: {  	[dreg:$0x1] =	wrdreg $0xFFFFFFFF  }
0xaf: {  	[dreg:$0x0] =	wrdreg $0x60  }
0xb0: {  	[dreg:$0x2] =	wrdreg s2  }
0xb1: {  	[dreg:$0x3] =	wrdreg s19  }
0xb2: {  	[dreg:$0x4] =	wrdreg s4  }
0xb3: {  	[dreg:$0x5] =	wrdreg $0x9  }
0xb4: {  	_ =	task.clear_ibuf [dreg:s9], $0x6FFFF;
	_ =	strace $0x90000046  }
0xb5: {  	s29 =	simm.s32 $0x9;
	_ =	strace $0x80000048  }
0xb6: {  	_ =	swait.ge [sflag:s29], $0x1  }
0xb7: {  	[sflag:s29] =	ssyncadd.s32 $0xFFFFFFFF  }
0xb8: {  	_ =	strace $0x90000048  }
0xb9: {  	_ =	sfence  }
0xba: {  	s30 =	sld [smem:$0x0];
	_ =	sdelay $0x2  }
0xbb: {  	s31 =	sshll.u32 s1, $0xD;
	s1 =	sshrl.u32 s1, $0x2  }
0xbc: {  	s3 =	sand.u32 $0x4000, s31;
	s1 =	sadd.s32 s1, s30  }
0xbd: {  	s0 =	sor.u32 s3, s0;
	s1 =	sshll.u32 s1, $0x11  }
0xbe: {  	s0 =	sor.u32 s1, s0  }
0xbf: {  	s0 =	sadd.s32 $0x8F2B, s0  }
0xc0: {  	[sflag:s0] =	ssyncadd.remote.s32 $0x1  }
0xc1: {  	_ =	sfence.sel $0xFFFF  }
0xc2: {  	[dreg:$0x0] =	wrdreg $0xFFFFFFFF;
	(pc) =	sbr.abs _section_cstart, $3  }
0xc3: {  	[dreg:$0x1] =	wrdreg $0xFFFFFFFF  }
0xc4: {  	_ =	task.clear_ibuf [dreg:s9], $0x2FFFF;
	_ =	strace $0x9FFFFFFF  }
0xc5: {  	(tm) =	ssettm $0x7FFFFFFF  }
tec
execute0_lowered:
.L_overlay_start_1:
0x0: {  	(tag) =	ssettag $0x1  }
0x1: {  	v0 =	vlaneseq.u32;
	v1 =	vimm.s32 $0x1380  }
0x2: {  	s1 =	rddreg [dreg:$0x0];
	vm0 =	vcmask $0x300;
	v2 =	vimm.s32 $0x3380;
	vm1 =	vcmask $0x704  }
0x3: {  	s0 =	rddreg [dreg:$0x1];
	vm15 =	vcmask $0xB08;
	v1 =	vsel vm0, $0x0, v1;
	v2 =	vsel vm0, $0x2000, v2  }
0x4: {  	s2 =	rddreg [dreg:$0x2];
	vm4 =	vcmask $0xF0C;
	v1 =	vsel vm1, $0x80, v1;
	v2 =	vsel vm1, $0x2080, v2  }
0x5: {  	s3 =	srdreg.scid;
	s4 =	stileid.u32;
	vm5 =	vcmask $0x1310;
	v1 =	vsel vm15, $0x100, v1;
	v2 =	vsel vm15, $0x2100, v2  }
0x6: {  	s6 =	simm.s32 $0x0;
	vm6 =	vcmask $0x1714;
	s7 =	simm.s32 $0x9;
	s8 =	simm.s32 $0x7A1400;
	v1 =	vsel vm4, $0x180, v1;
	v2 =	vsel vm4, $0x2180, v2  }
0x7: {  	vm7 =	vcmask $0x1B18;
	s9 =	simm.s32 $0x400;
	s10 =	simm.s32 $0x200;
	s11 =	simm.s32 $0x1200;
	v1 =	vsel vm5, $0x200, v1;
	v2 =	vsel vm5, $0x2200, v2  }
0x8: {  	vm8 =	vcmask $0x1F1C;
	s12 =	simm.s32 $0x2200;
	s13 =	simm.s32 $0x3200;
	s14 =	simm.s32 $0x4200;
	v1 =	vsel vm6, $0x280, v1;
	v2 =	vsel vm6, $0x2280, v2  }
0x9: {  	vm9 =	vcmask $0x2320;
	s15 =	simm.s32 $0x5200;
	s16 =	simm.s32 $0x6200;
	s17 =	simm.s32 $0x7200;
	v1 =	vsel vm7, $0x300, v1;
	v2 =	vsel vm7, $0x2300, v2  }
0xa: {  	vm10 =	vcmask $0x2724;
	s18 =	simm.s32 $0x1;
	s19 =	simm.s32 $0x8200;
	s20 =	simm.s32 $0x2;
	v1 =	vsel vm8, $0x380, v1;
	v2 =	vsel vm8, $0x2380, v2  }
0xb: {  	vm11 =	vcmask $0x2B28;
	s21 =	simm.s32 $0x3;
	s22 =	simm.s32 $0x4;
	s23 =	simm.s32 $0x5;
	v1 =	vsel vm9, $0x1000, v1;
	v2 =	vsel vm9, $0x3000, v2  }
0xc: {  	vm12 =	vcmask $0x2F2C;
	s24 =	simm.s32 $0x6;
	s25 =	simm.s32 $0x7;
	s26 =	simm.s32 $0x8;
	v1 =	vsel vm10, $0x1080, v1;
	v2 =	vsel vm10, $0x3080, v2  }
.Ltmp0:
0xd: {  	vm13 =	vcmask $0x3330;
	s30 =	simm.s32 $0x0;
	s3 =	sand.u32 $0x1, s3;
	v1 =	vsel vm11, $0x1100, v1;
	v2 =	vsel vm11, $0x3100, v2;
	(pc) =	sbr.rel .LBB2_1-.Ltmp0, $4  }
0xe: {  	vm14 =	vcmask $0x3734;
	s4 =	sshll.u32 s4, $0xA;
	s5 =	sshll.u32 s3, $0x9;
	s3 =	ssub.s32 $0x2, s3;
	v1 =	vsel vm12, $0x1180, v1;
	v2 =	vsel vm12, $0x3180, v2  }
0xf: {  	v0 =	vmul.u32 $0x80, v0;
	[smem:$0x7FF] =	sst s6;
	s5 =	sor.u32 s5, s4;
	s29 =	sshrl.u32 s3, $0x1;
	v1 =	vsel vm13, $0x1200, v1;
	v2 =	vsel vm13, $0x3200, v2  }
0x10: {  	_ =	strace $0x80000047;
	vm15 =	vcmask $0x3B38;
	s31 =	sshrl.u32 s5, $0x3;
	s3 =	ssub.s32 s3, s29;
	v3 =	vsel vm14, $0x1280, v1;
	v4 =	vsel vm14, $0x3280, v2  }
0x11: {  	s5 =	sadd.s32 s2, s5;
	s4 =	sadd.s32 s1, s31;
	s6 =	smax.u32 s3, $0x1;
	v1 =	vor.u32 $0x800, v0;
	v2 =	vsel vm15, $0x1300, v3;
	v3 =	vsel vm15, $0x3300, v4  }
.LBB2_6:
0x12: {  	s30 =	sadd.s32 $0x1, s30  }
0x13: {  	p0 =	sne.s32 s30, s6  }
.Ltmp1:
0x14: {  	s1 =	simm.s32 $0x1000;
	s2 =	simm.s32 $0x20000;
	(pc) =	sbr.rel @!p0 .LBB2_7-.Ltmp1, $4  }
0x15: {  	[hbm4b:s5+s1] =	stream.strided.scatter [tilespmem:s19], [sflag:$0x9], $0x4000, s2, s1, $0x38;
	[tilespmem:$0xC200] =	vst v63  }
0x16: {  	_ =	swait.ge [sflag:s7], $0x4000  }
0x17: {  	[sflag:s7] =	ssyncset.done $0x0  }
0x18: {  	[sflag:s7] =	ssyncadd.s32 $0xFFFFC000  }
.LBB2_1:
0x19: {  	s1 =	simm.s32 $0x0  }
0x1a: {  	[tilespmem:s1], [sflag:$0x9] =	stream.linear.gather [hbm4b:s4+s1], $0x200, $0x38;
	[tilespmem:$0xC200] =	vst v63  }
0x1b: {  	_ =	swait.ge [sflag:s7], $0x200  }
0x1c: {  	[sflag:s7] =	ssyncset.done $0x0  }
0x1d: {  	s2 =	simm.s32 $0x0;
	[sflag:s7] =	ssyncadd.s32 $0xFFFFFE00  }
0x1e: {  	v5 =	vld [tilespmem:s2+$0x0];
	_ =	sdelay $0x4  }
0x1f: {  	(v2sf) =	vpush v5, $0x0  }
0x20: {  	(v2sf) =	vpush v5, $0x1;
	_ =	sdelay $0x1  }
0x21: {  	(v2sf) =	vpush v5, $0x2  }
0x22: {  	(v2sf) =	vpush v5, $0x3  }
0x23: {  	(v2sf) =	vpush v5, $0x4  }
0x24: {  	(v2sf) =	vpush v5, $0x5  }
0x25: {  	(v2sf) =	vpush v5, $0x6  }
0x26: {  	(v2sf) =	vpush v5, $0x7  }
0x27: {  	(v2sf) =	vpush v5, $0x8  }
0x28: {  	(v2sf) =	vpush v5, $0x9  }
0x29: {  	s1 =	simm.s32 $0x10;
	(v2sf) =	vpush v5, $0xA  }
0x2a: {  	v4 =	vld [tilespmem:s1+$0x0];
	(v2sf) =	vpush v5, $0xB  }
0x2b: {  	(v2sf) =	vpush v5, $0xC  }
0x2c: {  	(v2sf) =	vpush v5, $0xD  }
0x2d: {  	(v2sf) =	vpush v5, $0xE;
	s3 =	spop (v2sf)  }
0x2e: {  	(v2sf) =	vpush v5, $0xF;
	[smem:s2] =	sst s3;
	s29 =	spop (v2sf)  }
0x2f: {  	(v2sf) =	vpush v4, $0x0;
	[smem:$0x1] =	sst s29  }
0x30: {  	s3 =	spop (v2sf)  }
0x31: {  	(v2sf) =	vpush v4, $0x1;
	[smem:$0x2] =	sst s3  }
0x32: {  	s3 =	spop (v2sf)  }
0x33: {  	(v2sf) =	vpush v4, $0x2;
	[smem:$0x3] =	sst s3  }
0x34: {  	s3 =	spop (v2sf)  }
0x35: {  	(v2sf) =	vpush v4, $0x3;
	[smem:$0x4] =	sst s3  }
0x36: {  	s3 =	spop (v2sf)  }
0x37: {  	(v2sf) =	vpush v4, $0x4;
	[smem:$0x5] =	sst s3  }
0x38: {  	s3 =	spop (v2sf)  }
0x39: {  	(v2sf) =	vpush v4, $0x5;
	[smem:$0x6] =	sst s3  }
0x3a: {  	s3 =	spop (v2sf)  }
0x3b: {  	(v2sf) =	vpush v4, $0x6;
	[smem:$0x7] =	sst s3  }
0x3c: {  	s3 =	spop (v2sf)  }
0x3d: {  	(v2sf) =	vpush v4, $0x7;
	[smem:$0x8] =	sst s3  }
0x3e: {  	s3 =	spop (v2sf)  }
0x3f: {  	(v2sf) =	vpush v4, $0x8;
	[smem:$0x9] =	sst s3  }
0x40: {  	s3 =	spop (v2sf)  }
0x41: {  	(v2sf) =	vpush v4, $0x9;
	[smem:$0xA] =	sst s3  }
0x42: {  	s3 =	spop (v2sf)  }
0x43: {  	(v2sf) =	vpush v4, $0xA;
	[smem:$0xB] =	sst s3  }
0x44: {  	s28 =	spop (v2sf)  }
0x45: {  	(v2sf) =	vpush v4, $0xB;
	[smem:$0xC] =	sst s28  }
0x46: {  	s3 =	simm.s32 $0x20;
	s28 =	spop (v2sf)  }
0x47: {  	v5 =	vld [tilespmem:s3+$0x0];
	(v2sf) =	vpush v4, $0xC;
	[smem:$0xD] =	sst s28  }
0x48: {  	s28 =	spop (v2sf)  }
0x49: {  	(v2sf) =	vpush v4, $0xD;
	[smem:$0xE] =	sst s28  }
0x4a: {  	s31 =	simm.s32 $0xC0;
	s28 =	spop (v2sf)  }
.LBB2_2:
0x4b: {  	p0 =	sne.s32 s31, $0x7C0;
	[smem:s2+$0xF] =	sst s28;
	s28 =	smov.u32 s31  }
0x4c: {  	(v2sf) =	vpush v4, $0xE;
	s31 =	sadd.s32 $0x40, s31;
	s2 =	smov.u32 s1;
	s1 =	smov.u32 s3  }
0x4d: {  	s3 =	spop (v2sf);
	(v2sf) =	vpush v4, $0xF  }
0x4e: {  	[smem:s2] =	sst s3;
	s3 =	spop (v2sf)  }
0x4f: {  	(v2sf) =	vpush v5, $0x0;
	[smem:s2+$0x1] =	sst s3;
	s3 =	spop (v2sf);
	v4 =	vmov v5  }
0x50: {  	(v2sf) =	vpush v4, $0x1;
	[smem:s2+$0x2] =	sst s3;
	s3 =	spop (v2sf)  }
0x51: {  	(v2sf) =	vpush v4, $0x2;
	[smem:s2+$0x3] =	sst s3;
	s3 =	spop (v2sf)  }
0x52: {  	(v2sf) =	vpush v4, $0x3;
	[smem:s2+$0x4] =	sst s3;
	s3 =	spop (v2sf)  }
0x53: {  	(v2sf) =	vpush v4, $0x4;
	[smem:s2+$0x5] =	sst s3;
	s3 =	spop (v2sf)  }
0x54: {  	(v2sf) =	vpush v4, $0x5;
	[smem:s2+$0x6] =	sst s3;
	s3 =	spop (v2sf)  }
0x55: {  	(v2sf) =	vpush v4, $0x6;
	[smem:s2+$0x7] =	sst s3;
	s3 =	spop (v2sf)  }
0x56: {  	(v2sf) =	vpush v4, $0x7;
	[smem:s2+$0x8] =	sst s3;
	s3 =	spop (v2sf)  }
0x57: {  	(v2sf) =	vpush v4, $0x8;
	[smem:s2+$0x9] =	sst s3;
	s3 =	spop (v2sf)  }
0x58: {  	[smem:s2+$0xA] =	sst s3  }
.Ltmp2:
0x59: {  	(v2sf) =	vpush v4, $0x9;
	s3 =	spop (v2sf);
	(pc) =	sbr.rel @p0 .LBB2_2-.Ltmp2, $4  }
0x5a: {  	(v2sf) =	vpush v4, $0xA;
	[smem:s2+$0xB] =	sst s3;
	s29 =	spop (v2sf)  }
0x5b: {  	s3 =	sshra.s32 s28, $0x2;
	(v2sf) =	vpush v4, $0xB;
	[smem:s2+$0xC] =	sst s29;
	s28 =	spop (v2sf)  }
0x5c: {  	v5 =	vld [tilespmem:s3+$0x0];
	(v2sf) =	vpush v4, $0xC;
	[smem:s2+$0xD] =	sst s28;
	s28 =	spop (v2sf)  }
0x5d: {  	(v2sf) =	vpush v4, $0xD;
	[smem:s2+$0xE] =	sst s28;
	s28 =	spop (v2sf)  }
0x5e: {  	_ = 	snop  }
0x5f: {  	(v2sf) =	vpush v4, $0xE  }
0x60: {  	[smem:s2+$0xF] =	sst s28;
	s28 =	spop (v2sf);
	(v2sf) =	vpush v4, $0xF  }
0x61: {  	[smem:s1] =	sst s28;
	s29 =	spop (v2sf);
	(v2sf) =	vpush v5, $0x0  }
0x62: {  	[smem:s1+$0x1] =	sst s29;
	s28 =	spop (v2sf);
	(v2sf) =	vpush v5, $0x1  }
0x63: {  	[smem:s1+$0x2] =	sst s28;
	s29 =	spop (v2sf);
	(v2sf) =	vpush v5, $0x2  }
0x64: {  	[smem:s1+$0x3] =	sst s29;
	s28 =	spop (v2sf);
	(v2sf) =	vpush v5, $0x3  }
0x65: {  	[smem:s1+$0x4] =	sst s28;
	s29 =	spop (v2sf);
	(v2sf) =	vpush v5, $0x4  }
0x66: {  	[smem:s1+$0x5] =	sst s29;
	s28 =	spop (v2sf);
	(v2sf) =	vpush v5, $0x5  }
0x67: {  	[smem:s1+$0x6] =	sst s28;
	s29 =	spop (v2sf);
	(v2sf) =	vpush v5, $0x6  }
0x68: {  	[smem:s1+$0x7] =	sst s29;
	s28 =	spop (v2sf);
	(v2sf) =	vpush v5, $0x7  }
0x69: {  	[smem:s1+$0x8] =	sst s28;
	s29 =	spop (v2sf);
	(v2sf) =	vpush v5, $0x8  }
0x6a: {  	[smem:s1+$0x9] =	sst s29;
	s28 =	spop (v2sf);
	(v2sf) =	vpush v5, $0x9  }
0x6b: {  	[smem:s1+$0xA] =	sst s28;
	s29 =	spop (v2sf);
	(v2sf) =	vpush v5, $0xA  }
0x6c: {  	[smem:s1+$0xB] =	sst s29;
	s28 =	spop (v2sf);
	(v2sf) =	vpush v5, $0xB  }
0x6d: {  	[smem:s1+$0xC] =	sst s28;
	s29 =	spop (v2sf);
	(v2sf) =	vpush v5, $0xC  }
0x6e: {  	[smem:s1+$0xD] =	sst s29;
	s28 =	spop (v2sf);
	(v2sf) =	vpush v5, $0xD  }
0x6f: {  	[smem:s1+$0xE] =	sst s28;
	s29 =	spop (v2sf);
	(v2sf) =	vpush v5, $0xE  }
0x70: {  	[smem:s1+$0xF] =	sst s29;
	s2 =	spop (v2sf);
	(v2sf) =	vpush v5, $0xF  }
0x71: {  	[smem:s3] =	sst s2;
	s28 =	spop (v2sf)  }
0x72: {  	[smem:s3+$0x1] =	sst s28;
	s29 =	spop (v2sf)  }
0x73: {  	[smem:s3+$0x2] =	sst s29;
	s2 =	spop (v2sf)  }
0x74: {  	[smem:s3+$0x3] =	sst s2;
	s28 =	spop (v2sf)  }
0x75: {  	[smem:s3+$0x4] =	sst s28;
	s29 =	spop (v2sf)  }
0x76: {  	[smem:s3+$0x5] =	sst s29;
	s2 =	spop (v2sf)  }
0x77: {  	[smem:s3+$0x6] =	sst s2;
	s28 =	spop (v2sf)  }
0x78: {  	[smem:s3+$0x7] =	sst s28;
	s29 =	spop (v2sf)  }
0x79: {  	[smem:s3+$0x8] =	sst s29;
	s2 =	spop (v2sf)  }
0x7a: {  	[smem:s3+$0x9] =	sst s2;
	s28 =	spop (v2sf)  }
0x7b: {  	[smem:s3+$0xA] =	sst s28;
	s29 =	spop (v2sf)  }
0x7c: {  	[smem:s3+$0xB] =	sst s29;
	s2 =	spop (v2sf)  }
0x7d: {  	[smem:s3+$0xC] =	sst s2;
	s28 =	spop (v2sf)  }
0x7e: {  	[smem:s3+$0xD] =	sst s28;
	s29 =	spop (v2sf)  }
0x7f: {  	[smem:s3+$0xE] =	sst s29;
	s2 =	spop (v2sf)  }
0x80: {  	[smem:s3+$0xF] =	sst s2  }
0x81: {  	s1 =	sld [smem:$0x0]  }
0x82: {  	s2 =	sld [smem:$0x1];
	_ =	sdelay $0x1  }
0x83: {  	s29 =	sld [smem:$0x2];
	s1 =	sand.u32 $0xFFFFF80, s1  }
0x84: {  	s3 =	sld [smem:$0x3];
	s28 =	sand.u32 $0xFFFFF80, s2;
	s1 =	sadd.s32 s0, s1  }
0x85: {  	[tilespmem:s10], [sflag:$0x1] =	stream.strided.gather [hbm4b:s1+s9], $0x1000, s8, s9, $0x38;
	[tilespmem:$0xC200] =	vst v63  }
0x86: {  	s2 =	sand.u32 $0xFFFFF80, s29;
	s29 =	sld [smem:$0x4];
	s1 =	sadd.s32 s0, s28  }
0x87: {  	[tilespmem:s11], [sflag:$0x2] =	stream.strided.gather [hbm4b:s1+s9], $0x1000, s8, s9, $0x38;
	[tilespmem:$0xC200] =	vst v63  }
0x88: {  	s28 =	sand.u32 $0xFFFFF80, s3;
	s3 =	sld [smem:$0x5];
	s1 =	sadd.s32 s0, s2  }
0x89: {  	[tilespmem:s12], [sflag:$0x3] =	stream.strided.gather [hbm4b:s1+s9], $0x1000, s8, s9, $0x38;
	[tilespmem:$0xC200] =	vst v63  }
0x8a: {  	s2 =	sand.u32 $0xFFFFF80, s29;
	s1 =	sadd.s32 s0, s28  }
0x8b: {  	[tilespmem:s13], [sflag:$0x4] =	stream.strided.gather [hbm4b:s1+s9], $0x1000, s8, s9, $0x38;
	[tilespmem:$0xC200] =	vst v63  }
0x8c: {  	s29 =	sld [smem:$0x6];
	s28 =	sand.u32 $0xFFFFF80, s3;
	s1 =	sadd.s32 s0, s2  }
0x8d: {  	[tilespmem:s14], [sflag:$0x5] =	stream.strided.gather [hbm4b:s1+s9], $0x1000, s8, s9, $0x38;
	[tilespmem:$0xC200] =	vst v63  }
0x8e: {  	s1 =	sadd.s32 s0, s28;
	s28 =	sld [smem:$0x7]  }
0x8f: {  	s3 =	sand.u32 $0xFFFFF80, s29  }
0x90: {  	[tilespmem:s15], [sflag:$0x6] =	stream.strided.gather [hbm4b:s1+s9], $0x1000, s8, s9, $0x38;
	[tilespmem:$0xC200] =	vst v63  }
0x91: {  	s1 =	sadd.s32 s0, s3;
	s29 =	sand.u32 $0xFFFFF80, s28  }
0x92: {  	[tilespmem:s16], [sflag:$0x7] =	stream.strided.gather [hbm4b:s1+s9], $0x1000, s8, s9, $0x38;
	[tilespmem:$0xC200] =	vst v63  }
0x93: {  	s1 =	sadd.s32 s0, s29  }
0x94: {  	[tilespmem:s17], [sflag:$0x8] =	stream.strided.gather [hbm4b:s1+s9], $0x1000, s8, s9, $0x38;
	[tilespmem:$0xC200] =	vst v63  }
0x95: {  	s31 =	simm.s32 $0x7;
	s1 =	simm.s32 $0x8  }
.LBB2_4:
0x96: {  	_ =	swait.ge [sflag:s18], $0x1000  }
0x97: {  	[sflag:s18] =	ssyncset.done $0x0  }
0x98: {  	[sflag:s18] =	ssyncadd.s32 $0xFFFFF000  }
0x99: {  	s2 =	sld [smem:s1+$0xFFFFFFF8];
	_ =	sdelay $0x2  }
0x9a: {  	s2 =	sand.u32 $0x7F, s2  }
0x9b: {  	s3 =	sadd.s32 $0xFFFFFFF9, s31;
	v4 =	vor.u32 s2, v0  }
0x9c: {  	v5 =	vmov s3;
	v6 =	vor.u32 s2, v1  }
0x9d: {  	v7 =	vshll.u32 v5, $0x3  }
0x9e: {  	v5 =	vand.u32 $0x78, v5;
	v7 =	vand.u32 $0xC00, v7  }
0x9f: {  	v5 =	vor.u32 v5, v7  }
0xa0: {  	v7 =	vor.u32 v2, v5;
	v4 =	vld.idx.msk [tilespmem:v4+s10+$0x0], $0xffff  }
0xa1: {  	p0 =	seq.s32 s31, $0x1FF;
	v5 =	vor.u32 v3, v5;
	v6 =	vld.idx.msk [tilespmem:v6+s10+$0x0], $0xffff  }
0xa2: {  	s2 =	sld @!p0 [smem:s1+$0x0];
	_ =	sdelay $0x2  }
0xa3: {  	s3 =	simm.s32 @!p0 $0x7A1400;
	s2 =	sand.u32 @!p0 $0xFFFFF80, s2;
	[tilespmem:v7+s19+$0x0] =	vst.idx.msk $0xffff, v4  }
0xa4: {  	s29 =	simm.s32 @!p0 $0x200;
	s28 =	sadd.s32 @!p0 s0, s2;
	s2 =	simm.s32 @!p0 $0x400;
	[tilespmem:v5+s19+$0x0] =	vst.idx.msk $0xffff, v6  }
0xa5: {  	[tilespmem:s29], [sflag:$0x1] =	stream.strided.gather @!p0 [hbm4b:s28+s2], $0x1000, s3, s2, $0x38;
	[tilespmem:$0xC200] =	vst v63  }
0xa6: {  	_ =	swait.ge [sflag:s20], $0x1000  }
0xa7: {  	[sflag:s20] =	ssyncset.done $0x0  }
0xa8: {  	[sflag:s20] =	ssyncadd.s32 $0xFFFFF000  }
0xa9: {  	s29 =	sld [smem:s1+$0xFFFFFFF9];
	_ =	sdelay $0x2  }
0xaa: {  	s28 =	sand.u32 $0x7F, s29  }
0xab: {  	s29 =	sadd.s32 $0xFFFFFFFA, s31;
	v4 =	vor.u32 s28, v0  }
0xac: {  	v5 =	vmov s29;
	v50 =	vor.u32 s28, v1  }
0xad: {  	v51 =	vshll.u32 v5, $0x3  }
0xae: {  	v5 =	vand.u32 $0x79, v5;
	v7 =	vand.u32 $0xC00, v51  }
0xaf: {  	v5 =	vor.u32 v5, v7  }
0xb0: {  	v7 =	vor.u32 v2, v5;
	v4 =	vld.idx.msk [tilespmem:v4+s11+$0x0], $0xffff  }
0xb1: {  	v5 =	vor.u32 v3, v5;
	v6 =	vld.idx.msk [tilespmem:v50+s11+$0x0], $0xffff  }
0xb2: {  	s28 =	sld @!p0 [smem:s1+$0x1];
	_ =	sdelay $0x2  }
0xb3: {  	s28 =	sand.u32 @!p0 $0xFFFFF80, s28;
	[tilespmem:v7+s19+$0x0] =	vst.idx.msk $0xffff, v4  }
0xb4: {  	s29 =	simm.s32 @!p0 $0x1200;
	s28 =	sadd.s32 @!p0 s0, s28;
	[tilespmem:v5+s19+$0x0] =	vst.idx.msk $0xffff, v6  }
0xb5: {  	[tilespmem:s29], [sflag:$0x2] =	stream.strided.gather @!p0 [hbm4b:s28+s2], $0x1000, s3, s2, $0x38;
	[tilespmem:$0xC200] =	vst v63  }
0xb6: {  	_ =	swait.ge [sflag:s21], $0x1000  }
0xb7: {  	[sflag:s21] =	ssyncset.done $0x0  }
0xb8: {  	[sflag:s21] =	ssyncadd.s32 $0xFFFFF000  }
0xb9: {  	s29 =	sld [smem:s1+$0xFFFFFFFA];
	_ =	sdelay $0x2  }
0xba: {  	s28 =	sand.u32 $0x7F, s29  }
0xbb: {  	s29 =	sadd.s32 $0xFFFFFFFB, s31;
	v4 =	vor.u32 s28, v0  }
0xbc: {  	v5 =	vmov s29;
	v52 =	vor.u32 s28, v1  }
0xbd: {  	v53 =	vshll.u32 v5, $0x3  }
0xbe: {  	v5 =	vand.u32 $0x7A, v5;
	v7 =	vand.u32 $0xC00, v53  }
0xbf: {  	v5 =	vor.u32 v5, v7  }
0xc0: {  	v7 =	vor.u32 v2, v5;
	v4 =	vld.idx.msk [tilespmem:v4+s12+$0x0], $0xffff  }
0xc1: {  	v5 =	vor.u32 v3, v5;
	v6 =	vld.idx.msk [tilespmem:v52+s12+$0x0], $0xffff  }
0xc2: {  	s28 =	sld @!p0 [smem:s1+$0x2];
	_ =	sdelay $0x2  }
0xc3: {  	s28 =	sand.u32 @!p0 $0xFFFFF80, s28;
	[tilespmem:v7+s19+$0x0] =	vst.idx.msk $0xffff, v4  }
0xc4: {  	s29 =	simm.s32 @!p0 $0x2200;
	s28 =	sadd.s32 @!p0 s0, s28;
	[tilespmem:v5+s19+$0x0] =	vst.idx.msk $0xffff, v6  }
0xc5: {  	[tilespmem:s29], [sflag:$0x3] =	stream.strided.gather @!p0 [hbm4b:s28+s2], $0x1000, s3, s2, $0x38;
	[tilespmem:$0xC200] =	vst v63  }
0xc6: {  	_ =	swait.ge [sflag:s22], $0x1000  }
0xc7: {  	[sflag:s22] =	ssyncset.done $0x0  }
0xc8: {  	[sflag:s22] =	ssyncadd.s32 $0xFFFFF000  }
0xc9: {  	s29 =	sld [smem:s1+$0xFFFFFFFB];
	_ =	sdelay $0x2  }
0xca: {  	s28 =	sand.u32 $0x7F, s29  }
0xcb: {  	s29 =	sadd.s32 $0xFFFFFFFC, s31;
	v4 =	vor.u32 s28, v0  }
0xcc: {  	v5 =	vmov s29;
	v54 =	vor.u32 s28, v1  }
0xcd: {  	v55 =	vshll.u32 v5, $0x3  }
0xce: {  	v5 =	vand.u32 $0x7B, v5;
	v7 =	vand.u32 $0xC00, v55  }
0xcf: {  	v5 =	vor.u32 v5, v7  }
0xd0: {  	v7 =	vor.u32 v2, v5;
	v4 =	vld.idx.msk [tilespmem:v4+s13+$0x0], $0xffff  }
0xd1: {  	v5 =	vor.u32 v3, v5;
	v6 =	vld.idx.msk [tilespmem:v54+s13+$0x0], $0xffff  }
0xd2: {  	s28 =	sld @!p0 [smem:s1+$0x3];
	_ =	sdelay $0x2  }
0xd3: {  	s28 =	sand.u32 @!p0 $0xFFFFF80, s28;
	[tilespmem:v7+s19+$0x0] =	vst.idx.msk $0xffff, v4  }
0xd4: {  	s29 =	simm.s32 @!p0 $0x3200;
	s28 =	sadd.s32 @!p0 s0, s28;
	[tilespmem:v5+s19+$0x0] =	vst.idx.msk $0xffff, v6  }
0xd5: {  	[tilespmem:s29], [sflag:$0x4] =	stream.strided.gather @!p0 [hbm4b:s28+s2], $0x1000, s3, s2, $0x38;
	[tilespmem:$0xC200] =	vst v63  }
0xd6: {  	_ =	swait.ge [sflag:s23], $0x1000  }
0xd7: {  	[sflag:s23] =	ssyncset.done $0x0  }
0xd8: {  	[sflag:s23] =	ssyncadd.s32 $0xFFFFF000  }
0xd9: {  	s29 =	sld [smem:s1+$0xFFFFFFFC];
	_ =	sdelay $0x2  }
0xda: {  	s28 =	sand.u32 $0x7F, s29  }
0xdb: {  	s29 =	sadd.s32 $0xFFFFFFFD, s31;
	v4 =	vor.u32 s28, v0  }
0xdc: {  	v5 =	vmov s29;
	v56 =	vor.u32 s28, v1  }
0xdd: {  	v57 =	vshll.u32 v5, $0x3  }
0xde: {  	v5 =	vand.u32 $0x7C, v5;
	v7 =	vand.u32 $0xC00, v57  }
0xdf: {  	v5 =	vor.u32 v5, v7  }
0xe0: {  	v7 =	vor.u32 v2, v5;
	v4 =	vld.idx.msk [tilespmem:v4+s14+$0x0], $0xffff  }
0xe1: {  	v5 =	vor.u32 v3, v5;
	v6 =	vld.idx.msk [tilespmem:v56+s14+$0x0], $0xffff  }
0xe2: {  	s28 =	sld @!p0 [smem:s1+$0x4];
	_ =	sdelay $0x2  }
0xe3: {  	s28 =	sand.u32 @!p0 $0xFFFFF80, s28;
	[tilespmem:v7+s19+$0x0] =	vst.idx.msk $0xffff, v4  }
0xe4: {  	s29 =	simm.s32 @!p0 $0x4200;
	s28 =	sadd.s32 @!p0 s0, s28;
	[tilespmem:v5+s19+$0x0] =	vst.idx.msk $0xffff, v6  }
0xe5: {  	[tilespmem:s29], [sflag:$0x5] =	stream.strided.gather @!p0 [hbm4b:s28+s2], $0x1000, s3, s2, $0x38;
	[tilespmem:$0xC200] =	vst v63  }
0xe6: {  	_ =	swait.ge [sflag:s24], $0x1000  }
0xe7: {  	[sflag:s24] =	ssyncset.done $0x0  }
0xe8: {  	[sflag:s24] =	ssyncadd.s32 $0xFFFFF000  }
0xe9: {  	s29 =	sld [smem:s1+$0xFFFFFFFD];
	_ =	sdelay $0x2  }
0xea: {  	s28 =	sand.u32 $0x7F, s29  }
0xeb: {  	s29 =	sadd.s32 $0xFFFFFFFE, s31;
	v4 =	vor.u32 s28, v0  }
0xec: {  	v5 =	vmov s29;
	v58 =	vor.u32 s28, v1  }
0xed: {  	v59 =	vshll.u32 v5, $0x3  }
0xee: {  	v5 =	vand.u32 $0x7D, v5;
	v7 =	vand.u32 $0xC00, v59  }
0xef: {  	v5 =	vor.u32 v5, v7  }
0xf0: {  	v7 =	vor.u32 v2, v5;
	v4 =	vld.idx.msk [tilespmem:v4+s15+$0x0], $0xffff  }
0xf1: {  	v5 =	vor.u32 v3, v5;
	v6 =	vld.idx.msk [tilespmem:v58+s15+$0x0], $0xffff  }
0xf2: {  	s28 =	sld @!p0 [smem:s1+$0x5];
	_ =	sdelay $0x2  }
0xf3: {  	s28 =	sand.u32 @!p0 $0xFFFFF80, s28;
	[tilespmem:v7+s19+$0x0] =	vst.idx.msk $0xffff, v4  }
0xf4: {  	s29 =	simm.s32 @!p0 $0x5200;
	s28 =	sadd.s32 @!p0 s0, s28;
	[tilespmem:v5+s19+$0x0] =	vst.idx.msk $0xffff, v6  }
0xf5: {  	[tilespmem:s29], [sflag:$0x6] =	stream.strided.gather @!p0 [hbm4b:s28+s2], $0x1000, s3, s2, $0x38;
	[tilespmem:$0xC200] =	vst v63  }
0xf6: {  	_ =	swait.ge [sflag:s25], $0x1000  }
0xf7: {  	[sflag:s25] =	ssyncset.done $0x0  }
0xf8: {  	[sflag:s25] =	ssyncadd.s32 $0xFFFFF000  }
0xf9: {  	s29 =	sld [smem:s1+$0xFFFFFFFE];
	_ =	sdelay $0x2  }
0xfa: {  	s28 =	sand.u32 $0x7F, s29  }
0xfb: {  	s29 =	sadd.s32 $0xFFFFFFFF, s31;
	v4 =	vor.u32 s28, v0  }
0xfc: {  	v5 =	vmov s29;
	v60 =	vor.u32 s28, v1  }
0xfd: {  	v61 =	vshll.u32 v5, $0x3  }
0xfe: {  	v5 =	vand.u32 $0x7E, v5;
	v7 =	vand.u32 $0xC00, v61  }
0xff: {  	v5 =	vor.u32 v5, v7  }
0x100: {  	v7 =	vor.u32 v2, v5;
	v4 =	vld.idx.msk [tilespmem:v4+s16+$0x0], $0xffff  }
0x101: {  	v5 =	vor.u32 v3, v5;
	v6 =	vld.idx.msk [tilespmem:v60+s16+$0x0], $0xffff  }
0x102: {  	s28 =	sld @!p0 [smem:s1+$0x6];
	_ =	sdelay $0x2  }
0x103: {  	s28 =	sand.u32 @!p0 $0xFFFFF80, s28;
	[tilespmem:v7+s19+$0x0] =	vst.idx.msk $0xffff, v4  }
0x104: {  	s29 =	simm.s32 @!p0 $0x6200;
	s28 =	sadd.s32 @!p0 s0, s28;
	[tilespmem:v5+s19+$0x0] =	vst.idx.msk $0xffff, v6  }
0x105: {  	[tilespmem:s29], [sflag:$0x7] =	stream.strided.gather @!p0 [hbm4b:s28+s2], $0x1000, s3, s2, $0x38;
	[tilespmem:$0xC200] =	vst v63  }
0x106: {  	_ =	swait.ge [sflag:s26], $0x1000  }
0x107: {  	[sflag:s26] =	ssyncset.done $0x0  }
0x108: {  	[sflag:s26] =	ssyncadd.s32 $0xFFFFF000  }
0x109: {  	s29 =	sld [smem:s1+$0xFFFFFFFF];
	_ =	sdelay $0x2  }
0x10a: {  	s2 =	sand.u32 $0x7F, s29  }
0x10b: {  	v4 =	vor.u32 s2, v0  }
0x10c: {  	v5 =	vmov s31;
	v62 =	vor.u32 s2, v1  }
0x10d: {  	v63 =	vshll.u32 v5, $0x3  }
0x10e: {  	v5 =	vand.u32 $0x7F, v5;
	v7 =	vand.u32 $0xC00, v63  }
0x10f: {  	v5 =	vor.u32 v5, v7  }
0x110: {  	v7 =	vor.u32 v2, v5;
	v4 =	vld.idx.msk [tilespmem:v4+s17+$0x0], $0xffff  }
0x111: {  	v5 =	vor.u32 v3, v5;
	v6 =	vld.idx.msk [tilespmem:v62+s17+$0x0], $0xffff  }
.Ltmp3:
0x112: {  	_ = 	snop;
	(pc) =	sbr.rel @p0 .LBB2_6-.Ltmp3, $3  }
0x113: {  	_ =	sdelay $0x1  }
0x114: {  	[tilespmem:v7+s19+$0x0] =	vst.idx.msk $0xffff, v4  }
0x115: {  	[tilespmem:v5+s19+$0x0] =	vst.idx.msk $0xffff, v6  }
0x116: {  	s2 =	sld [smem:s1+$0x7]  }
.Ltmp4:
0x117: {  	_ = 	snop;
	(pc) =	sbr.rel .LBB2_4-.Ltmp4, $4  }
0x118: {  	_ = 	snop  }
0x119: {  	s2 =	sand.u32 $0xFFFFF80, s2  }
0x11a: {  	s31 =	sadd.s32 $0x8, s31;
	s1 =	sadd.s32 $0x8, s1;
	s2 =	sadd.s32 s0, s2  }
0x11b: {  	[tilespmem:s17], [sflag:$0x8] =	stream.strided.gather [hbm4b:s2+s9], $0x1000, s8, s9, $0x38;
	[tilespmem:$0xC200] =	vst v63  }
.LBB2_7:
0x11c: {  	_ =	sfence.sel $0x180000  }
0x11d: {  	[bflag:$0x0] =	sbarrier.arrive $0xFFFF  }
0x11e: {  	_ =	strace $0x90000047  }
0x11f: {  	s0 =	stileid.u32;
	[bflag:$0x2] =	sbarrier.arrive $0xFFFF  }
0x120: {  	p0 =	sne.s32 s0, $0x0;
	s0 =	rddreg [dreg:$0x3]  }
0x121: {  	s0 =	sadd.s32 @!p0 $0x100000, s0  }
0x122: {  	[sflag:s0] =	ssyncadd.tile.s32 @!p0 $0x1;
	_ =	shalt  }
.Lfunc_end2:
_tile_overlayer_lowered:
.L_overlay_start_2:
0x123: {  	(tag) =	ssettag $0x2  }
0x124: {  	s0 =	rddreg [dreg:$0x0];
	s2 =	stileid.u32  }
0x125: {  	s1 =	rddreg [dreg:$0x1];
	p0 =	sne.s32 s2, $0x0  }
0x126: {  	s3 =	rddreg [dreg:$0x2];
	[bflag:$0x3] =	sbarrier.arrive $0xFFFF;
	s2 =	simm.s32 @!p0 $0x1C09  }
0x127: {  	[timem:s3], [sflag:s2] =	dma.local @!p0 [hbm:s0], s1  }
0x128: {  	s0 =	simm.s32 @!p0 $0x9  }
0x129: {  	_ =	swait.ge @!p0 [sflag:s0], s1  }
0x12a: {  	s1 =	ssub.s32 @!p0 $0x0, s1;
	[sflag:s0] =	ssyncset.done @!p0 $0x0  }
0x12b: {  	[sflag:s0] =	ssyncadd.s32 @!p0 s1  }
0x12c: {  	[bflag:$0x3] =	sbarrier.arrive $0xFFFF  }
0x12d: {  	_ =	shalt  }

</sc_bundles>
